<compile_context>
chip_gen: v7x
topology: tpu7x:2x2x1
jax: 0.10.2.dev20260603
libtpu: 0.0.44.dev20260713+nightly
codegen_flags: <defaults>
</compile_context>

<pallas_src>
import jax
import jax.numpy as jnp
from jax import lax
from jax.experimental import pallas as pl
from jax.experimental.pallas import tpu as pltpu
from jax.experimental.pallas import tpu_sc as plsc

NC = 2
NS = 16
NW = NC * NS
L = 16

BATCH = 16384
D = 64
W = 2 * D
BPW = BATCH // NW
CHUNK = 128
NCHUNK = BPW // CHUNK


def _lane_shuffle(x, idx):
    return lax.gather(
        x,
        idx[:, None],
        lax.GatherDimensionNumbers(
            offset_dims=(), collapsed_slice_dims=(0,), start_index_map=(0,)
        ),
        slice_sizes=(1,),
        mode=lax.GatherScatterMode.PROMISE_IN_BOUNDS,
    )


def _sc_body(hs, rs, ts, ent_cat, rel_cat, out,
             hidx, ridx, tidx, h0, t0, r0, h1, t1, r1, out_v, sem0, sem1):
    wid = lax.axis_index("s") * NC + lax.axis_index("c")
    base = wid * BPW
    lane = lax.iota(jnp.int32, L)

    pltpu.sync_copy(hs.at[pl.ds(base, BPW)], hidx)
    pltpu.sync_copy(rs.at[pl.ds(base, BPW)], ridx)
    pltpu.sync_copy(ts.at[pl.ds(base, BPW)], tidx)

    bufs = ((h0, t0, r0), (h1, t1, r1))
    sems = (sem0, sem1)

    def issue(ci, bset, sem):
        sl = pl.ds(ci * CHUNK, CHUNK)
        return [
            pltpu.async_copy(ent_cat.at[hidx.at[sl]], bset[0], sem),
            pltpu.async_copy(ent_cat.at[tidx.at[sl]], bset[1], sem),
            pltpu.async_copy(rel_cat.at[ridx.at[sl]], bset[2], sem),
        ]

    cps = issue(0, bufs[0], sems[0])
    for ci in range(NCHUNK):
        h_buf, t_buf, r_buf = bufs[ci % 2]
        for cp in cps:
            cp.wait()
        if ci + 1 < NCHUNK:
            cps = issue(ci + 1, bufs[(ci + 1) % 2], sems[(ci + 1) % 2])

        def gloop(g, carry, ci=ci, h_buf=h_buf, t_buf=t_buf, r_buf=r_buf):
            def rloop(j, scores):
                r = g * L + j
                acc = jnp.zeros((L,), jnp.float32)
                for qv in range(D // L):
                    re_sl = pl.ds(qv * L, L)
                    im_sl = pl.ds(D + qv * L, L)
                    a = h_buf[r, re_sl]
                    b = h_buf[r, im_sl]
                    c = t_buf[r, re_sl]
                    d = t_buf[r, im_sl]
                    p = r_buf[r, re_sl]
                    q = r_buf[r, im_sl]
                    acc = acc + p * (a * c + b * d) + q * (a * d - b * c)
                for step in (1, 2, 4, 8):
                    acc = acc + _lane_shuffle(acc, lane ^ step)
                return jnp.where(lane == j, acc, scores)

            scores = lax.fori_loop(0, L, rloop, jnp.zeros((L,), jnp.float32))
            out_v[pl.ds(ci * CHUNK + g * L, L)] = scores
            return carry

        lax.fori_loop(0, CHUNK // L, gloop, 0)

    pltpu.sync_copy(out_v, out.at[pl.ds(base, BPW)])


@jax.jit
def _compl_ex_sc(hs, rs, ts, ent_cat, rel_cat):
    mesh = plsc.VectorSubcoreMesh(core_axis_name="c", subcore_axis_name="s")
    fn = pl.kernel(
        _sc_body,
        mesh=mesh,
        out_type=jax.ShapeDtypeStruct((BATCH,), jnp.float32),
        scratch_types=[
            pltpu.VMEM((BPW,), jnp.int32),
            pltpu.VMEM((BPW,), jnp.int32),
            pltpu.VMEM((BPW,), jnp.int32),
            pltpu.VMEM((CHUNK, W), jnp.float32),
            pltpu.VMEM((CHUNK, W), jnp.float32),
            pltpu.VMEM((CHUNK, W), jnp.float32),
            pltpu.VMEM((CHUNK, W), jnp.float32),
            pltpu.VMEM((CHUNK, W), jnp.float32),
            pltpu.VMEM((CHUNK, W), jnp.float32),
            pltpu.VMEM((BPW,), jnp.float32),
            pltpu.SemaphoreType.DMA,
            pltpu.SemaphoreType.DMA,
        ],
    )
    return fn(hs, rs, ts, ent_cat, rel_cat)


def kernel(batch, ent_re, ent_im, rel_re, rel_im):
    b32 = batch.astype(jnp.int32)
    hs = b32[:, 0]
    rs = b32[:, 1]
    ts = b32[:, 2]
    ent_cat = jnp.concatenate([ent_re[:1024], ent_im[:1024]], axis=1)
    rel_cat = jnp.concatenate([rel_re[:1000], rel_im[:1000]], axis=1)
    return _compl_ex_sc(hs, rs, ts, ent_cat, rel_cat)

# --- scband reference (transcript-rebuilt; emitter-appended) ---
"""Pipeline reference for scband-compl-ex-57337813402070 (READ-ONLY COPY).

The authoritative reference and input builder live on the scoring server;
editing this copy changes nothing except your own understanding.
"""

import jax, jax.numpy as jnp
import numpy as np

NUM_ENT = 1000000
NUM_REL = 1000
EMB_DIM = 64
BATCH = 16384

def _xavier_uniform(key, shape):
    fan_in, fan_out = shape[0], shape[1]
    limit = float(np.sqrt(6.0 / (fan_in + fan_out)))
    return jax.random.uniform(key, shape, dtype=jnp.float32, minval=-limit, maxval=limit)

def setup_inputs(seed: int = 0) -> dict:
    key = jax.random.key(seed)
    k_b, k1, k2, k3, k4 = jax.random.split(key, 5)
    batch = jax.random.randint(k_b, (BATCH, 3), 0, 1000, dtype=jnp.int64)
    ent_re = _xavier_uniform(k1, (NUM_ENT, EMB_DIM))
    ent_im = _xavier_uniform(k2, (NUM_ENT, EMB_DIM))
    rel_re = _xavier_uniform(k3, (NUM_REL, EMB_DIM))
    rel_im = _xavier_uniform(k4, (NUM_REL, EMB_DIM))
    return {"batch": batch, "ent_re": ent_re, "ent_im": ent_im, "rel_re": rel_re, "rel_im": rel_im}

def _calc(e_re_h, e_im_h, r_re, r_im, e_re_t, e_im_t):
    return jnp.sum(r_re * e_re_h * e_re_t + r_re * e_im_h * e_im_t + r_im * e_re_h * e_im_t - r_im * e_im_h * e_re_t, axis=1)

def reference(batch, ent_re, ent_im, rel_re, rel_im):
    hs = batch[:, 0]
    rs = batch[:, 1]
    ts = batch[:, 2]
    e_re_h = jnp.take(ent_re, hs, axis=0)
    e_im_h = jnp.take(ent_im, hs, axis=0)
    e_re_t = jnp.take(ent_re, ts, axis=0)
    e_im_t = jnp.take(ent_im, ts, axis=0)
    r_re = jnp.take(rel_re, rs, axis=0)
    r_im = jnp.take(rel_im, rs, axis=0)
    score = _calc(e_re_h, e_im_h, r_re, r_im, e_re_t, e_im_t)
    return score

if __name__ == "__main__":
    import jax
    _d = setup_inputs()
    print(jax.jit(kernel)(*tuple(_d.values())))

</pallas_src>

<mosaic_0001>
#map = affine_map<(d0, d1) -> (0)>
#map1 = affine_map<(d0, d1) -> (0, 0)>
module attributes {stable_mosaic.version = 14 : i64} {
  func.func @_sc_body(%arg0: i32, %arg1: i32, %arg2: memref<16384xi32, #tpu.memory_space<hbm>>, %arg3: memref<16384xi32, #tpu.memory_space<hbm>>, %arg4: memref<16384xi32, #tpu.memory_space<hbm>>, %arg5: memref<1024x128xf32, #tpu.memory_space<hbm>>, %arg6: memref<1000x128xf32, #tpu.memory_space<hbm>>, %arg7: memref<16384xf32, #tpu.memory_space<hbm>>, %arg8: memref<512xi32, #tpu.memory_space<vmem>>, %arg9: memref<512xi32, #tpu.memory_space<vmem>>, %arg10: memref<512xi32, #tpu.memory_space<vmem>>, %arg11: memref<128x128xf32, #tpu.memory_space<vmem>>, %arg12: memref<128x128xf32, #tpu.memory_space<vmem>>, %arg13: memref<128x128xf32, #tpu.memory_space<vmem>>, %arg14: memref<128x128xf32, #tpu.memory_space<vmem>>, %arg15: memref<128x128xf32, #tpu.memory_space<vmem>>, %arg16: memref<128x128xf32, #tpu.memory_space<vmem>>, %arg17: memref<512xf32, #tpu.memory_space<vmem>>, %arg18: memref<!tpu.dma_semaphore, #tpu.memory_space<semaphore_mem>>, %arg19: memref<!tpu.dma_semaphore, #tpu.memory_space<semaphore_mem>>) attributes {dimension_semantics = [#tpu.dimension_semantics<core_parallel>, #tpu.dimension_semantics<subcore_parallel>], iteration_bounds = array<i64: 2, 16>, scalar_prefetch = 0 : i64, scratch_operands = 12 : i64, tpu.core_type = #tpu.core_type<sc_vector_subcore>, window_params = [{transform_indices = #map}, {transform_indices = #map}, {transform_indices = #map}, {transform_indices = #map1}, {transform_indices = #map1}, {transform_indices = #map}]} {
    %mul3A = arith.constant 2 : i32
    %mul3A_0 = arith.muli %arg1, %mul3A : i32
    %add3A = arith.addi %mul3A_0, %arg0 : i32
    %mul3A_1 = arith.constant 512 : i32
    %mul3A_2 = arith.muli %add3A, %mul3A_1 : i32
    %iota3A = tpu.iota {dimensions = array<i32: 0>} : vector<16xi32>
    "tpu.region"() ({
      %run_scoped3A = tpu.sem_alloc : memref<!tpu.dma_semaphore, #tpu.memory_space<semaphore_mem>>
      %dma_start3A_144 = tpu.memref_slice %arg2[%mul3A_2] : memref<16384xi32, #tpu.memory_space<hbm>> -> memref<512xi32, #tpu.memory_space<hbm>>
      %dma_start3A_145 = tpu.memref_slice %arg2[%mul3A_2] : memref<16384xi32, #tpu.memory_space<hbm>> -> memref<512xi32, #tpu.memory_space<hbm>>
      tpu.enqueue_dma source(%dma_start3A_145 : memref<512xi32, #tpu.memory_space<hbm>>) target(%arg8 : memref<512xi32, #tpu.memory_space<vmem>>) target_semaphore(%run_scoped3A : memref<!tpu.dma_semaphore, #tpu.memory_space<semaphore_mem>>)
      %dma_wait3A_146 = tpu.memref_slice %arg2[%mul3A_2] : memref<16384xi32, #tpu.memory_space<hbm>> -> memref<512xi32, #tpu.memory_space<hbm>>
      %dma_wait3A_147 = tpu.memref_slice %arg2[%mul3A_2] : memref<16384xi32, #tpu.memory_space<hbm>> -> memref<512xi32, #tpu.memory_space<hbm>>
      tpu.wait_dma2 semaphore(%run_scoped3A : memref<!tpu.dma_semaphore, #tpu.memory_space<semaphore_mem>>) src(%dma_wait3A_147 : memref<512xi32, #tpu.memory_space<hbm>>) dst(%arg8 : memref<512xi32, #tpu.memory_space<vmem>>)
      tpu.yield
    }) : () -> ()
    "tpu.region"() ({
      %run_scoped3A = tpu.sem_alloc : memref<!tpu.dma_semaphore, #tpu.memory_space<semaphore_mem>>
      %dma_start3A_144 = tpu.memref_slice %arg3[%mul3A_2] : memref<16384xi32, #tpu.memory_space<hbm>> -> memref<512xi32, #tpu.memory_space<hbm>>
      %dma_start3A_145 = tpu.memref_slice %arg3[%mul3A_2] : memref<16384xi32, #tpu.memory_space<hbm>> -> memref<512xi32, #tpu.memory_space<hbm>>
      tpu.enqueue_dma source(%dma_start3A_145 : memref<512xi32, #tpu.memory_space<hbm>>) target(%arg9 : memref<512xi32, #tpu.memory_space<vmem>>) target_semaphore(%run_scoped3A : memref<!tpu.dma_semaphore, #tpu.memory_space<semaphore_mem>>)
      %dma_wait3A_146 = tpu.memref_slice %arg3[%mul3A_2] : memref<16384xi32, #tpu.memory_space<hbm>> -> memref<512xi32, #tpu.memory_space<hbm>>
      %dma_wait3A_147 = tpu.memref_slice %arg3[%mul3A_2] : memref<16384xi32, #tpu.memory_space<hbm>> -> memref<512xi32, #tpu.memory_space<hbm>>
      tpu.wait_dma2 semaphore(%run_scoped3A : memref<!tpu.dma_semaphore, #tpu.memory_space<semaphore_mem>>) src(%dma_wait3A_147 : memref<512xi32, #tpu.memory_space<hbm>>) dst(%arg9 : memref<512xi32, #tpu.memory_space<vmem>>)
      tpu.yield
    }) : () -> ()
    "tpu.region"() ({
      %run_scoped3A = tpu.sem_alloc : memref<!tpu.dma_semaphore, #tpu.memory_space<semaphore_mem>>
      %dma_start3A_144 = tpu.memref_slice %arg4[%mul3A_2] : memref<16384xi32, #tpu.memory_space<hbm>> -> memref<512xi32, #tpu.memory_space<hbm>>
      %dma_start3A_145 = tpu.memref_slice %arg4[%mul3A_2] : memref<16384xi32, #tpu.memory_space<hbm>> -> memref<512xi32, #tpu.memory_space<hbm>>
      tpu.enqueue_dma source(%dma_start3A_145 : memref<512xi32, #tpu.memory_space<hbm>>) target(%arg10 : memref<512xi32, #tpu.memory_space<vmem>>) target_semaphore(%run_scoped3A : memref<!tpu.dma_semaphore, #tpu.memory_space<semaphore_mem>>)
      %dma_wait3A_146 = tpu.memref_slice %arg4[%mul3A_2] : memref<16384xi32, #tpu.memory_space<hbm>> -> memref<512xi32, #tpu.memory_space<hbm>>
      %dma_wait3A_147 = tpu.memref_slice %arg4[%mul3A_2] : memref<16384xi32, #tpu.memory_space<hbm>> -> memref<512xi32, #tpu.memory_space<hbm>>
      tpu.wait_dma2 semaphore(%run_scoped3A : memref<!tpu.dma_semaphore, #tpu.memory_space<semaphore_mem>>) src(%dma_wait3A_147 : memref<512xi32, #tpu.memory_space<hbm>>) dst(%arg10 : memref<512xi32, #tpu.memory_space<vmem>>)
      tpu.yield
    }) : () -> ()
    %dma_start3A = arith.constant 0 : i32
    %dma_start3A_3 = tpu.memref_slice %arg8[%dma_start3A] : memref<512xi32, #tpu.memory_space<vmem>> -> memref<128xi32, #tpu.memory_space<vmem>>
    %dma_start3A_4 = arith.constant 0 : i32
    %dma_start3A_5 = arith.constant 0 : i32
    %dma_start3A_6 = tpu.memref_slice %arg5[%dma_start3A_4, %dma_start3A_5] : memref<1024x128xf32, #tpu.memory_space<hbm>> -> memref<1024x128xf32, #tpu.memory_space<hbm>>
    tpu.enqueue_indirect_dma source(%dma_start3A_6 : memref<1024x128xf32, #tpu.memory_space<hbm>>) target(%arg11 : memref<128x128xf32, #tpu.memory_space<vmem>>) offsets(%dma_start3A_3 : memref<128xi32, #tpu.memory_space<vmem>>) semaphore(%arg18 : memref<!tpu.dma_semaphore, #tpu.memory_space<semaphore_mem>>)
    %dma_start3A_7 = arith.constant 0 : i32
    %dma_start3A_8 = tpu.memref_slice %arg10[%dma_start3A_7] : memref<512xi32, #tpu.memory_space<vmem>> -> memref<128xi32, #tpu.memory_space<vmem>>
    %dma_start3A_9 = arith.constant 0 : i32
    %dma_start3A_10 = arith.constant 0 : i32
    %dma_start3A_11 = tpu.memref_slice %arg5[%dma_start3A_9, %dma_start3A_10] : memref<1024x128xf32, #tpu.memory_space<hbm>> -> memref<1024x128xf32, #tpu.memory_space<hbm>>
    tpu.enqueue_indirect_dma source(%dma_start3A_11 : memref<1024x128xf32, #tpu.memory_space<hbm>>) target(%arg12 : memref<128x128xf32, #tpu.memory_space<vmem>>) offsets(%dma_start3A_8 : memref<128xi32, #tpu.memory_space<vmem>>) semaphore(%arg18 : memref<!tpu.dma_semaphore, #tpu.memory_space<semaphore_mem>>)
    %dma_start3A_12 = arith.constant 0 : i32
    %dma_start3A_13 = tpu.memref_slice %arg9[%dma_start3A_12] : memref<512xi32, #tpu.memory_space<vmem>> -> memref<128xi32, #tpu.memory_space<vmem>>
    %dma_start3A_14 = arith.constant 0 : i32
    %dma_start3A_15 = arith.constant 0 : i32
    %dma_start3A_16 = tpu.memref_slice %arg6[%dma_start3A_14, %dma_start3A_15] : memref<1000x128xf32, #tpu.memory_space<hbm>> -> memref<1000x128xf32, #tpu.memory_space<hbm>>
    tpu.enqueue_indirect_dma source(%dma_start3A_16 : memref<1000x128xf32, #tpu.memory_space<hbm>>) target(%arg13 : memref<128x128xf32, #tpu.memory_space<vmem>>) offsets(%dma_start3A_13 : memref<128xi32, #tpu.memory_space<vmem>>) semaphore(%arg18 : memref<!tpu.dma_semaphore, #tpu.memory_space<semaphore_mem>>)
    %dma_wait3A = arith.constant 0 : i32
    %dma_wait3A_17 = tpu.memref_slice %arg8[%dma_wait3A] : memref<512xi32, #tpu.memory_space<vmem>> -> memref<128xi32, #tpu.memory_space<vmem>>
    %dma_wait3A_18 = arith.constant 0 : i32
    %dma_wait3A_19 = arith.constant 0 : i32
    %dma_wait3A_20 = tpu.memref_slice %arg5[%dma_wait3A_18, %dma_wait3A_19] : memref<1024x128xf32, #tpu.memory_space<hbm>> -> memref<1024x128xf32, #tpu.memory_space<hbm>>
    tpu.wait_indirect_dma semaphore(%arg18 : memref<!tpu.dma_semaphore, #tpu.memory_space<semaphore_mem>>) src(%dma_wait3A_20 : memref<1024x128xf32, #tpu.memory_space<hbm>>) dst(%arg11 : memref<128x128xf32, #tpu.memory_space<vmem>>)
    %dma_wait3A_21 = arith.constant 0 : i32
    %dma_wait3A_22 = tpu.memref_slice %arg10[%dma_wait3A_21] : memref<512xi32, #tpu.memory_space<vmem>> -> memref<128xi32, #tpu.memory_space<vmem>>
    %dma_wait3A_23 = arith.constant 0 : i32
    %dma_wait3A_24 = arith.constant 0 : i32
    %dma_wait3A_25 = tpu.memref_slice %arg5[%dma_wait3A_23, %dma_wait3A_24] : memref<1024x128xf32, #tpu.memory_space<hbm>> -> memref<1024x128xf32, #tpu.memory_space<hbm>>
    tpu.wait_indirect_dma semaphore(%arg18 : memref<!tpu.dma_semaphore, #tpu.memory_space<semaphore_mem>>) src(%dma_wait3A_25 : memref<1024x128xf32, #tpu.memory_space<hbm>>) dst(%arg12 : memref<128x128xf32, #tpu.memory_space<vmem>>)
    %dma_wait3A_26 = arith.constant 0 : i32
    %dma_wait3A_27 = tpu.memref_slice %arg9[%dma_wait3A_26] : memref<512xi32, #tpu.memory_space<vmem>> -> memref<128xi32, #tpu.memory_space<vmem>>
    %dma_wait3A_28 = arith.constant 0 : i32
    %dma_wait3A_29 = arith.constant 0 : i32
    %dma_wait3A_30 = tpu.memref_slice %arg6[%dma_wait3A_28, %dma_wait3A_29] : memref<1000x128xf32, #tpu.memory_space<hbm>> -> memref<1000x128xf32, #tpu.memory_space<hbm>>
    tpu.wait_indirect_dma semaphore(%arg18 : memref<!tpu.dma_semaphore, #tpu.memory_space<semaphore_mem>>) src(%dma_wait3A_30 : memref<1000x128xf32, #tpu.memory_space<hbm>>) dst(%arg13 : memref<128x128xf32, #tpu.memory_space<vmem>>)
    %dma_start3A_31 = arith.constant 128 : i32
    %dma_start3A_32 = tpu.memref_slice %arg8[%dma_start3A_31] : memref<512xi32, #tpu.memory_space<vmem>> -> memref<128xi32, #tpu.memory_space<vmem>>
    %dma_start3A_33 = arith.constant 0 : i32
    %dma_start3A_34 = arith.constant 0 : i32
    %dma_start3A_35 = tpu.memref_slice %arg5[%dma_start3A_33, %dma_start3A_34] : memref<1024x128xf32, #tpu.memory_space<hbm>> -> memref<1024x128xf32, #tpu.memory_space<hbm>>
    tpu.enqueue_indirect_dma source(%dma_start3A_35 : memref<1024x128xf32, #tpu.memory_space<hbm>>) target(%arg14 : memref<128x128xf32, #tpu.memory_space<vmem>>) offsets(%dma_start3A_32 : memref<128xi32, #tpu.memory_space<vmem>>) semaphore(%arg19 : memref<!tpu.dma_semaphore, #tpu.memory_space<semaphore_mem>>)
    %dma_start3A_36 = arith.constant 128 : i32
    %dma_start3A_37 = tpu.memref_slice %arg10[%dma_start3A_36] : memref<512xi32, #tpu.memory_space<vmem>> -> memref<128xi32, #tpu.memory_space<vmem>>
    %dma_start3A_38 = arith.constant 0 : i32
    %dma_start3A_39 = arith.constant 0 : i32
    %dma_start3A_40 = tpu.memref_slice %arg5[%dma_start3A_38, %dma_start3A_39] : memref<1024x128xf32, #tpu.memory_space<hbm>> -> memref<1024x128xf32, #tpu.memory_space<hbm>>
    tpu.enqueue_indirect_dma source(%dma_start3A_40 : memref<1024x128xf32, #tpu.memory_space<hbm>>) target(%arg15 : memref<128x128xf32, #tpu.memory_space<vmem>>) offsets(%dma_start3A_37 : memref<128xi32, #tpu.memory_space<vmem>>) semaphore(%arg19 : memref<!tpu.dma_semaphore, #tpu.memory_space<semaphore_mem>>)
    %dma_start3A_41 = arith.constant 128 : i32
    %dma_start3A_42 = tpu.memref_slice %arg9[%dma_start3A_41] : memref<512xi32, #tpu.memory_space<vmem>> -> memref<128xi32, #tpu.memory_space<vmem>>
    %dma_start3A_43 = arith.constant 0 : i32
    %dma_start3A_44 = arith.constant 0 : i32
    %dma_start3A_45 = tpu.memref_slice %arg6[%dma_start3A_43, %dma_start3A_44] : memref<1000x128xf32, #tpu.memory_space<hbm>> -> memref<1000x128xf32, #tpu.memory_space<hbm>>
    tpu.enqueue_indirect_dma source(%dma_start3A_45 : memref<1000x128xf32, #tpu.memory_space<hbm>>) target(%arg16 : memref<128x128xf32, #tpu.memory_space<vmem>>) offsets(%dma_start3A_42 : memref<128xi32, #tpu.memory_space<vmem>>) semaphore(%arg19 : memref<!tpu.dma_semaphore, #tpu.memory_space<semaphore_mem>>)
    %scan3A = arith.constant 0 : i32
    %scan3A_46 = arith.constant 0 : i32
    %scan3A_47 = arith.constant 8 : i32
    %scan3A_48 = arith.addi %scan3A_46, %scan3A_47 : i32
    %scan3A_49 = arith.constant 1 : i32
    scf.for %scan3A_144 = %scan3A_46 to %scan3A_48 step %scan3A_49  : i32 {
      %broadcast_in_dim3A = arith.constant 0.000000e+00 : f32
      %broadcast_in_dim3A_145 = vector.broadcast %broadcast_in_dim3A : f32 to vector<16xf32>
      %scan3A_146 = arith.constant 0 : i32
      %scan3A_147 = arith.constant 16 : i32
      %scan3A_148 = arith.addi %scan3A_146, %scan3A_147 : i32
      %scan3A_149 = arith.constant 1 : i32
      %scan3A_150 = scf.for %scan3A_159 = %scan3A_146 to %scan3A_148 step %scan3A_149 iter_args(%scan3A_160 = %broadcast_in_dim3A_145) -> (vector<16xf32>)  : i32 {
        %mul3A_161 = arith.constant 16 : i32
        %mul3A_162 = arith.muli %scan3A_144, %mul3A_161 : i32
        %add3A_163 = arith.addi %mul3A_162, %scan3A_159 : i32
        %broadcast_in_dim3A_164 = arith.constant 0.000000e+00 : f32
        %broadcast_in_dim3A_165 = vector.broadcast %broadcast_in_dim3A_164 : f32 to vector<16xf32>
        %get3A = arith.index_cast %add3A_163 : i32 to index
        %get3A_166 = arith.constant 0 : index
        %get3A_167 = tpu.vector_load %arg11[%get3A, %get3A_166] {strides = array<i32>} : memref<128x128xf32, #tpu.memory_space<vmem>>, vector<1x16xf32>,
        %get3A_168 = vector.shape_cast %get3A_167 : vector<1x16xf32> to vector<16xf32>
        %get3A_169 = arith.index_cast %add3A_163 : i32 to index
        %get3A_170 = arith.constant 64 : index
        %get3A_171 = tpu.vector_load %arg11[%get3A_169, %get3A_170] {strides = array<i32>} : memref<128x128xf32, #tpu.memory_space<vmem>>, vector<1x16xf32>,
        %get3A_172 = vector.shape_cast %get3A_171 : vector<1x16xf32> to vector<16xf32>
        %get3A_173 = arith.index_cast %add3A_163 : i32 to index
        %get3A_174 = arith.constant 0 : index
        %get3A_175 = tpu.vector_load %arg12[%get3A_173, %get3A_174] {strides = array<i32>} : memref<128x128xf32, #tpu.memory_space<vmem>>, vector<1x16xf32>,
        %get3A_176 = vector.shape_cast %get3A_175 : vector<1x16xf32> to vector<16xf32>
        %get3A_177 = arith.index_cast %add3A_163 : i32 to index
        %get3A_178 = arith.constant 64 : index
        %get3A_179 = tpu.vector_load %arg12[%get3A_177, %get3A_178] {strides = array<i32>} : memref<128x128xf32, #tpu.memory_space<vmem>>, vector<1x16xf32>,
        %get3A_180 = vector.shape_cast %get3A_179 : vector<1x16xf32> to vector<16xf32>
        %get3A_181 = arith.index_cast %add3A_163 : i32 to index
        %get3A_182 = arith.constant 0 : index
        %get3A_183 = tpu.vector_load %arg13[%get3A_181, %get3A_182] {strides = array<i32>} : memref<128x128xf32, #tpu.memory_space<vmem>>, vector<1x16xf32>,
        %get3A_184 = vector.shape_cast %get3A_183 : vector<1x16xf32> to vector<16xf32>
        %get3A_185 = arith.index_cast %add3A_163 : i32 to index
        %get3A_186 = arith.constant 64 : index
        %get3A_187 = tpu.vector_load %arg13[%get3A_185, %get3A_186] {strides = array<i32>} : memref<128x128xf32, #tpu.memory_space<vmem>>, vector<1x16xf32>,
        %get3A_188 = vector.shape_cast %get3A_187 : vector<1x16xf32> to vector<16xf32>
        %mul3A_189 = arith.mulf %get3A_168, %get3A_176 : vector<16xf32>
        %mul3A_190 = arith.mulf %get3A_172, %get3A_180 : vector<16xf32>
        %add3A_191 = arith.addf %mul3A_189, %mul3A_190 : vector<16xf32>
        %mul3A_192 = arith.mulf %get3A_184, %add3A_191 : vector<16xf32>
        %add3A_193 = arith.addf %broadcast_in_dim3A_165, %mul3A_192 : vector<16xf32>
        %mul3A_194 = arith.mulf %get3A_168, %get3A_180 : vector<16xf32>
        %mul3A_195 = arith.mulf %get3A_172, %get3A_176 : vector<16xf32>
        %sub3A = arith.subf %mul3A_194, %mul3A_195 : vector<16xf32>
        %mul3A_196 = arith.mulf %get3A_188, %sub3A : vector<16xf32>
        %add3A_197 = arith.addf %add3A_193, %mul3A_196 : vector<16xf32>
        %get3A_198 = arith.index_cast %add3A_163 : i32 to index
        %get3A_199 = arith.constant 16 : index
        %get3A_200 = tpu.vector_load %arg11[%get3A_198, %get3A_199] {strides = array<i32>} : memref<128x128xf32, #tpu.memory_space<vmem>>, vector<1x16xf32>,
        %get3A_201 = vector.shape_cast %get3A_200 : vector<1x16xf32> to vector<16xf32>
        %get3A_202 = arith.index_cast %add3A_163 : i32 to index
        %get3A_203 = arith.constant 80 : index
        %get3A_204 = tpu.vector_load %arg11[%get3A_202, %get3A_203] {strides = array<i32>} : memref<128x128xf32, #tpu.memory_space<vmem>>, vector<1x16xf32>,
        %get3A_205 = vector.shape_cast %get3A_204 : vector<1x16xf32> to vector<16xf32>
        %get3A_206 = arith.index_cast %add3A_163 : i32 to index
        %get3A_207 = arith.constant 16 : index
        %get3A_208 = tpu.vector_load %arg12[%get3A_206, %get3A_207] {strides = array<i32>} : memref<128x128xf32, #tpu.memory_space<vmem>>, vector<1x16xf32>,
        %get3A_209 = vector.shape_cast %get3A_208 : vector<1x16xf32> to vector<16xf32>
        %get3A_210 = arith.index_cast %add3A_163 : i32 to index
        %get3A_211 = arith.constant 80 : index
        %get3A_212 = tpu.vector_load %arg12[%get3A_210, %get3A_211] {strides = array<i32>} : memref<128x128xf32, #tpu.memory_space<vmem>>, vector<1x16xf32>,
        %get3A_213 = vector.shape_cast %get3A_212 : vector<1x16xf32> to vector<16xf32>
        %get3A_214 = arith.index_cast %add3A_163 : i32 to index
        %get3A_215 = arith.constant 16 : index
        %get3A_216 = tpu.vector_load %arg13[%get3A_214, %get3A_215] {strides = array<i32>} : memref<128x128xf32, #tpu.memory_space<vmem>>, vector<1x16xf32>,
        %get3A_217 = vector.shape_cast %get3A_216 : vector<1x16xf32> to vector<16xf32>
        %get3A_218 = arith.index_cast %add3A_163 : i32 to index
        %get3A_219 = arith.constant 80 : index
        %get3A_220 = tpu.vector_load %arg13[%get3A_218, %get3A_219] {strides = array<i32>} : memref<128x128xf32, #tpu.memory_space<vmem>>, vector<1x16xf32>,
        %get3A_221 = vector.shape_cast %get3A_220 : vector<1x16xf32> to vector<16xf32>
        %mul3A_222 = arith.mulf %get3A_201, %get3A_209 : vector<16xf32>
        %mul3A_223 = arith.mulf %get3A_205, %get3A_213 : vector<16xf32>
        %add3A_224 = arith.addf %mul3A_222, %mul3A_223 : vector<16xf32>
        %mul3A_225 = arith.mulf %get3A_217, %add3A_224 : vector<16xf32>
        %add3A_226 = arith.addf %add3A_197, %mul3A_225 : vector<16xf32>
        %mul3A_227 = arith.mulf %get3A_201, %get3A_213 : vector<16xf32>
        %mul3A_228 = arith.mulf %get3A_205, %get3A_209 : vector<16xf32>
        %sub3A_229 = arith.subf %mul3A_227, %mul3A_228 : vector<16xf32>
        %mul3A_230 = arith.mulf %get3A_221, %sub3A_229 : vector<16xf32>
        %add3A_231 = arith.addf %add3A_226, %mul3A_230 : vector<16xf32>
        %get3A_232 = arith.index_cast %add3A_163 : i32 to index
        %get3A_233 = arith.constant 32 : index
        %get3A_234 = tpu.vector_load %arg11[%get3A_232, %get3A_233] {strides = array<i32>} : memref<128x128xf32, #tpu.memory_space<vmem>>, vector<1x16xf32>,
        %get3A_235 = vector.shape_cast %get3A_234 : vector<1x16xf32> to vector<16xf32>
        %get3A_236 = arith.index_cast %add3A_163 : i32 to index
        %get3A_237 = arith.constant 96 : index
        %get3A_238 = tpu.vector_load %arg11[%get3A_236, %get3A_237] {strides = array<i32>} : memref<128x128xf32, #tpu.memory_space<vmem>>, vector<1x16xf32>,
        %get3A_239 = vector.shape_cast %get3A_238 : vector<1x16xf32> to vector<16xf32>
        %get3A_240 = arith.index_cast %add3A_163 : i32 to index
        %get3A_241 = arith.constant 32 : index
        %get3A_242 = tpu.vector_load %arg12[%get3A_240, %get3A_241] {strides = array<i32>} : memref<128x128xf32, #tpu.memory_space<vmem>>, vector<1x16xf32>,
        %get3A_243 = vector.shape_cast %get3A_242 : vector<1x16xf32> to vector<16xf32>
        %get3A_244 = arith.index_cast %add3A_163 : i32 to index
        %get3A_245 = arith.constant 96 : index
        %get3A_246 = tpu.vector_load %arg12[%get3A_244, %get3A_245] {strides = array<i32>} : memref<128x128xf32, #tpu.memory_space<vmem>>, vector<1x16xf32>,
        %get3A_247 = vector.shape_cast %get3A_246 : vector<1x16xf32> to vector<16xf32>
        %get3A_248 = arith.index_cast %add3A_163 : i32 to index
        %get3A_249 = arith.constant 32 : index
        %get3A_250 = tpu.vector_load %arg13[%get3A_248, %get3A_249] {strides = array<i32>} : memref<128x128xf32, #tpu.memory_space<vmem>>, vector<1x16xf32>,
        %get3A_251 = vector.shape_cast %get3A_250 : vector<1x16xf32> to vector<16xf32>
        %get3A_252 = arith.index_cast %add3A_163 : i32 to index
        %get3A_253 = arith.constant 96 : index
        %get3A_254 = tpu.vector_load %arg13[%get3A_252, %get3A_253] {strides = array<i32>} : memref<128x128xf32, #tpu.memory_space<vmem>>, vector<1x16xf32>,
        %get3A_255 = vector.shape_cast %get3A_254 : vector<1x16xf32> to vector<16xf32>
        %mul3A_256 = arith.mulf %get3A_235, %get3A_243 : vector<16xf32>
        %mul3A_257 = arith.mulf %get3A_239, %get3A_247 : vector<16xf32>
        %add3A_258 = arith.addf %mul3A_256, %mul3A_257 : vector<16xf32>
        %mul3A_259 = arith.mulf %get3A_251, %add3A_258 : vector<16xf32>
        %add3A_260 = arith.addf %add3A_231, %mul3A_259 : vector<16xf32>
        %mul3A_261 = arith.mulf %get3A_235, %get3A_247 : vector<16xf32>
        %mul3A_262 = arith.mulf %get3A_239, %get3A_243 : vector<16xf32>
        %sub3A_263 = arith.subf %mul3A_261, %mul3A_262 : vector<16xf32>
        %mul3A_264 = arith.mulf %get3A_255, %sub3A_263 : vector<16xf32>
        %add3A_265 = arith.addf %add3A_260, %mul3A_264 : vector<16xf32>
        %get3A_266 = arith.index_cast %add3A_163 : i32 to index
        %get3A_267 = arith.constant 48 : index
        %get3A_268 = tpu.vector_load %arg11[%get3A_266, %get3A_267] {strides = array<i32>} : memref<128x128xf32, #tpu.memory_space<vmem>>, vector<1x16xf32>,
        %get3A_269 = vector.shape_cast %get3A_268 : vector<1x16xf32> to vector<16xf32>
        %get3A_270 = arith.index_cast %add3A_163 : i32 to index
        %get3A_271 = arith.constant 112 : index
        %get3A_272 = tpu.vector_load %arg11[%get3A_270, %get3A_271] {strides = array<i32>} : memref<128x128xf32, #tpu.memory_space<vmem>>, vector<1x16xf32>,
        %get3A_273 = vector.shape_cast %get3A_272 : vector<1x16xf32> to vector<16xf32>
        %get3A_274 = arith.index_cast %add3A_163 : i32 to index
        %get3A_275 = arith.constant 48 : index
        %get3A_276 = tpu.vector_load %arg12[%get3A_274, %get3A_275] {strides = array<i32>} : memref<128x128xf32, #tpu.memory_space<vmem>>, vector<1x16xf32>,
        %get3A_277 = vector.shape_cast %get3A_276 : vector<1x16xf32> to vector<16xf32>
        %get3A_278 = arith.index_cast %add3A_163 : i32 to index
        %get3A_279 = arith.constant 112 : index
        %get3A_280 = tpu.vector_load %arg12[%get3A_278, %get3A_279] {strides = array<i32>} : memref<128x128xf32, #tpu.memory_space<vmem>>, vector<1x16xf32>,
        %get3A_281 = vector.shape_cast %get3A_280 : vector<1x16xf32> to vector<16xf32>
        %get3A_282 = arith.index_cast %add3A_163 : i32 to index
        %get3A_283 = arith.constant 48 : index
        %get3A_284 = tpu.vector_load %arg13[%get3A_282, %get3A_283] {strides = array<i32>} : memref<128x128xf32, #tpu.memory_space<vmem>>, vector<1x16xf32>,
        %get3A_285 = vector.shape_cast %get3A_284 : vector<1x16xf32> to vector<16xf32>
        %get3A_286 = arith.index_cast %add3A_163 : i32 to index
        %get3A_287 = arith.constant 112 : index
        %get3A_288 = tpu.vector_load %arg13[%get3A_286, %get3A_287] {strides = array<i32>} : memref<128x128xf32, #tpu.memory_space<vmem>>, vector<1x16xf32>,
        %get3A_289 = vector.shape_cast %get3A_288 : vector<1x16xf32> to vector<16xf32>
        %mul3A_290 = arith.mulf %get3A_269, %get3A_277 : vector<16xf32>
        %mul3A_291 = arith.mulf %get3A_273, %get3A_281 : vector<16xf32>
        %add3A_292 = arith.addf %mul3A_290, %mul3A_291 : vector<16xf32>
        %mul3A_293 = arith.mulf %get3A_285, %add3A_292 : vector<16xf32>
        %add3A_294 = arith.addf %add3A_265, %mul3A_293 : vector<16xf32>
        %mul3A_295 = arith.mulf %get3A_269, %get3A_281 : vector<16xf32>
        %mul3A_296 = arith.mulf %get3A_273, %get3A_277 : vector<16xf32>
        %sub3A_297 = arith.subf %mul3A_295, %mul3A_296 : vector<16xf32>
        %mul3A_298 = arith.mulf %get3A_289, %sub3A_297 : vector<16xf32>
        %add3A_299 = arith.addf %add3A_294, %mul3A_298 : vector<16xf32>
        %xor3A = arith.constant 1 : i32
        %xor3A_300 = vector.broadcast %xor3A : i32 to vector<16xi32>
        %xor3A_301 = arith.xori %iota3A, %xor3A_300 : vector<16xi32>
        %broadcast_in_dim3A_302 = vector.shape_cast %xor3A_301 : vector<16xi32> to vector<16x1xi32>
        %gather3A = vector.shape_cast %broadcast_in_dim3A_302 : vector<16x1xi32> to vector<16xi32>
        %gather3A_303 = tpu.dynamic_gather %add3A_299[%gather3A] in [0] : vector<16xf32>, vector<16xi32> -> vector<16xf32>
        %add3A_304 = arith.addf %add3A_299, %gather3A_303 : vector<16xf32>
        %xor3A_305 = arith.constant 2 : i32
        %xor3A_306 = vector.broadcast %xor3A_305 : i32 to vector<16xi32>
        %xor3A_307 = arith.xori %iota3A, %xor3A_306 : vector<16xi32>
        %broadcast_in_dim3A_308 = vector.shape_cast %xor3A_307 : vector<16xi32> to vector<16x1xi32>
        %gather3A_309 = vector.shape_cast %broadcast_in_dim3A_308 : vector<16x1xi32> to vector<16xi32>
        %gather3A_310 = tpu.dynamic_gather %add3A_304[%gather3A_309] in [0] : vector<16xf32>, vector<16xi32> -> vector<16xf32>
        %add3A_311 = arith.addf %add3A_304, %gather3A_310 : vector<16xf32>
        %xor3A_312 = arith.constant 4 : i32
        %xor3A_313 = vector.broadcast %xor3A_312 : i32 to vector<16xi32>
        %xor3A_314 = arith.xori %iota3A, %xor3A_313 : vector<16xi32>
        %broadcast_in_dim3A_315 = vector.shape_cast %xor3A_314 : vector<16xi32> to vector<16x1xi32>
        %gather3A_316 = vector.shape_cast %broadcast_in_dim3A_315 : vector<16x1xi32> to vector<16xi32>
        %gather3A_317 = tpu.dynamic_gather %add3A_311[%gather3A_316] in [0] : vector<16xf32>, vector<16xi32> -> vector<16xf32>
        %add3A_318 = arith.addf %add3A_311, %gather3A_317 : vector<16xf32>
        %xor3A_319 = arith.constant 8 : i32
        %xor3A_320 = vector.broadcast %xor3A_319 : i32 to vector<16xi32>
        %xor3A_321 = arith.xori %iota3A, %xor3A_320 : vector<16xi32>
        %broadcast_in_dim3A_322 = vector.shape_cast %xor3A_321 : vector<16xi32> to vector<16x1xi32>
        %gather3A_323 = vector.shape_cast %broadcast_in_dim3A_322 : vector<16x1xi32> to vector<16xi32>
        %gather3A_324 = tpu.dynamic_gather %add3A_318[%gather3A_323] in [0] : vector<16xf32>, vector<16xi32> -> vector<16xf32>
        %add3A_325 = arith.addf %add3A_318, %gather3A_324 : vector<16xf32>
        %eq3A = vector.broadcast %scan3A_159 : i32 to vector<16xi32>
        %eq3A_326 = arith.cmpi eq, %iota3A, %eq3A : vector<16xi32>
        %select_n3A = arith.select %eq3A_326, %add3A_325, %scan3A_160 : vector<16xi1>, vector<16xf32>
        scf.yield %select_n3A : vector<16xf32>
      }
      %scan3A_151 = arith.constant 16 : i32
      %mul3A_152 = arith.constant 16 : i32
      %mul3A_153 = arith.muli %scan3A_144, %mul3A_152 : i32
      %add3A_154 = arith.constant 0 : i32
      %add3A_155 = arith.addi %add3A_154, %mul3A_153 : i32
      %swap3A = arith.index_cast %add3A_155 : i32 to index
      %swap3A_156 = tpu.vector_load %arg17[%swap3A] {strides = array<i32>} : memref<512xf32, #tpu.memory_space<vmem>>, vector<16xf32>,
      %swap3A_157 = vector.shape_cast %swap3A_156 : vector<16xf32> to vector<16xf32>
      %swap3A_158 = vector.shape_cast %scan3A_150 : vector<16xf32> to vector<16xf32>
      tpu.vector_store %arg17[%swap3A], %swap3A_158 {strides = array<i32>} : memref<512xf32, #tpu.memory_space<vmem>>, vector<16xf32>,
    }
    %scan3A_50 = arith.constant 8 : i32
    %dma_wait3A_51 = arith.constant 128 : i32
    %dma_wait3A_52 = tpu.memref_slice %arg8[%dma_wait3A_51] : memref<512xi32, #tpu.memory_space<vmem>> -> memref<128xi32, #tpu.memory_space<vmem>>
    %dma_wait3A_53 = arith.constant 0 : i32
    %dma_wait3A_54 = arith.constant 0 : i32
    %dma_wait3A_55 = tpu.memref_slice %arg5[%dma_wait3A_53, %dma_wait3A_54] : memref<1024x128xf32, #tpu.memory_space<hbm>> -> memref<1024x128xf32, #tpu.memory_space<hbm>>
    tpu.wait_indirect_dma semaphore(%arg19 : memref<!tpu.dma_semaphore, #tpu.memory_space<semaphore_mem>>) src(%dma_wait3A_55 : memref<1024x128xf32, #tpu.memory_space<hbm>>) dst(%arg14 : memref<128x128xf32, #tpu.memory_space<vmem>>)
    %dma_wait3A_56 = arith.constant 128 : i32
    %dma_wait3A_57 = tpu.memref_slice %arg10[%dma_wait3A_56] : memref<512xi32, #tpu.memory_space<vmem>> -> memref<128xi32, #tpu.memory_space<vmem>>
    %dma_wait3A_58 = arith.constant 0 : i32
    %dma_wait3A_59 = arith.constant 0 : i32
    %dma_wait3A_60 = tpu.memref_slice %arg5[%dma_wait3A_58, %dma_wait3A_59] : memref<1024x128xf32, #tpu.memory_space<hbm>> -> memref<1024x128xf32, #tpu.memory_space<hbm>>
    tpu.wait_indirect_dma semaphore(%arg19 : memref<!tpu.dma_semaphore, #tpu.memory_space<semaphore_mem>>) src(%dma_wait3A_60 : memref<1024x128xf32, #tpu.memory_space<hbm>>) dst(%arg15 : memref<128x128xf32, #tpu.memory_space<vmem>>)
    %dma_wait3A_61 = arith.constant 128 : i32
    %dma_wait3A_62 = tpu.memref_slice %arg9[%dma_wait3A_61] : memref<512xi32, #tpu.memory_space<vmem>> -> memref<128xi32, #tpu.memory_space<vmem>>
    %dma_wait3A_63 = arith.constant 0 : i32
    %dma_wait3A_64 = arith.constant 0 : i32
    %dma_wait3A_65 = tpu.memref_slice %arg6[%dma_wait3A_63, %dma_wait3A_64] : memref<1000x128xf32, #tpu.memory_space<hbm>> -> memref<1000x128xf32, #tpu.memory_space<hbm>>
    tpu.wait_indirect_dma semaphore(%arg19 : memref<!tpu.dma_semaphore, #tpu.memory_space<semaphore_mem>>) src(%dma_wait3A_65 : memref<1000x128xf32, #tpu.memory_space<hbm>>) dst(%arg16 : memref<128x128xf32, #tpu.memory_space<vmem>>)
    %dma_start3A_66 = arith.constant 256 : i32
    %dma_start3A_67 = tpu.memref_slice %arg8[%dma_start3A_66] : memref<512xi32, #tpu.memory_space<vmem>> -> memref<128xi32, #tpu.memory_space<vmem>>
    %dma_start3A_68 = arith.constant 0 : i32
    %dma_start3A_69 = arith.constant 0 : i32
    %dma_start3A_70 = tpu.memref_slice %arg5[%dma_start3A_68, %dma_start3A_69] : memref<1024x128xf32, #tpu.memory_space<hbm>> -> memref<1024x128xf32, #tpu.memory_space<hbm>>
    tpu.enqueue_indirect_dma source(%dma_start3A_70 : memref<1024x128xf32, #tpu.memory_space<hbm>>) target(%arg11 : memref<128x128xf32, #tpu.memory_space<vmem>>) offsets(%dma_start3A_67 : memref<128xi32, #tpu.memory_space<vmem>>) semaphore(%arg18 : memref<!tpu.dma_semaphore, #tpu.memory_space<semaphore_mem>>)
    %dma_start3A_71 = arith.constant 256 : i32
    %dma_start3A_72 = tpu.memref_slice %arg10[%dma_start3A_71] : memref<512xi32, #tpu.memory_space<vmem>> -> memref<128xi32, #tpu.memory_space<vmem>>
    %dma_start3A_73 = arith.constant 0 : i32
    %dma_start3A_74 = arith.constant 0 : i32
    %dma_start3A_75 = tpu.memref_slice %arg5[%dma_start3A_73, %dma_start3A_74] : memref<1024x128xf32, #tpu.memory_space<hbm>> -> memref<1024x128xf32, #tpu.memory_space<hbm>>
    tpu.enqueue_indirect_dma source(%dma_start3A_75 : memref<1024x128xf32, #tpu.memory_space<hbm>>) target(%arg12 : memref<128x128xf32, #tpu.memory_space<vmem>>) offsets(%dma_start3A_72 : memref<128xi32, #tpu.memory_space<vmem>>) semaphore(%arg18 : memref<!tpu.dma_semaphore, #tpu.memory_space<semaphore_mem>>)
    %dma_start3A_76 = arith.constant 256 : i32
    %dma_start3A_77 = tpu.memref_slice %arg9[%dma_start3A_76] : memref<512xi32, #tpu.memory_space<vmem>> -> memref<128xi32, #tpu.memory_space<vmem>>
    %dma_start3A_78 = arith.constant 0 : i32
    %dma_start3A_79 = arith.constant 0 : i32
    %dma_start3A_80 = tpu.memref_slice %arg6[%dma_start3A_78, %dma_start3A_79] : memref<1000x128xf32, #tpu.memory_space<hbm>> -> memref<1000x128xf32, #tpu.memory_space<hbm>>
    tpu.enqueue_indirect_dma source(%dma_start3A_80 : memref<1000x128xf32, #tpu.memory_space<hbm>>) target(%arg13 : memref<128x128xf32, #tpu.memory_space<vmem>>) offsets(%dma_start3A_77 : memref<128xi32, #tpu.memory_space<vmem>>) semaphore(%arg18 : memref<!tpu.dma_semaphore, #tpu.memory_space<semaphore_mem>>)
    %scan3A_81 = arith.constant 0 : i32
    %scan3A_82 = arith.constant 0 : i32
    %scan3A_83 = arith.constant 8 : i32
    %scan3A_84 = arith.addi %scan3A_82, %scan3A_83 : i32
    %scan3A_85 = arith.constant 1 : i32
    scf.for %scan3A_144 = %scan3A_82 to %scan3A_84 step %scan3A_85  : i32 {
      %broadcast_in_dim3A = arith.constant 0.000000e+00 : f32
      %broadcast_in_dim3A_145 = vector.broadcast %broadcast_in_dim3A : f32 to vector<16xf32>
      %scan3A_146 = arith.constant 0 : i32
      %scan3A_147 = arith.constant 16 : i32
      %scan3A_148 = arith.addi %scan3A_146, %scan3A_147 : i32
      %scan3A_149 = arith.constant 1 : i32
      %scan3A_150 = scf.for %scan3A_159 = %scan3A_146 to %scan3A_148 step %scan3A_149 iter_args(%scan3A_160 = %broadcast_in_dim3A_145) -> (vector<16xf32>)  : i32 {
        %mul3A_161 = arith.constant 16 : i32
        %mul3A_162 = arith.muli %scan3A_144, %mul3A_161 : i32
        %add3A_163 = arith.addi %mul3A_162, %scan3A_159 : i32
        %broadcast_in_dim3A_164 = arith.constant 0.000000e+00 : f32
        %broadcast_in_dim3A_165 = vector.broadcast %broadcast_in_dim3A_164 : f32 to vector<16xf32>
        %get3A = arith.index_cast %add3A_163 : i32 to index
        %get3A_166 = arith.constant 0 : index
        %get3A_167 = tpu.vector_load %arg14[%get3A, %get3A_166] {strides = array<i32>} : memref<128x128xf32, #tpu.memory_space<vmem>>, vector<1x16xf32>,
        %get3A_168 = vector.shape_cast %get3A_167 : vector<1x16xf32> to vector<16xf32>
        %get3A_169 = arith.index_cast %add3A_163 : i32 to index
        %get3A_170 = arith.constant 64 : index
        %get3A_171 = tpu.vector_load %arg14[%get3A_169, %get3A_170] {strides = array<i32>} : memref<128x128xf32, #tpu.memory_space<vmem>>, vector<1x16xf32>,
        %get3A_172 = vector.shape_cast %get3A_171 : vector<1x16xf32> to vector<16xf32>
        %get3A_173 = arith.index_cast %add3A_163 : i32 to index
        %get3A_174 = arith.constant 0 : index
        %get3A_175 = tpu.vector_load %arg15[%get3A_173, %get3A_174] {strides = array<i32>} : memref<128x128xf32, #tpu.memory_space<vmem>>, vector<1x16xf32>,
        %get3A_176 = vector.shape_cast %get3A_175 : vector<1x16xf32> to vector<16xf32>
        %get3A_177 = arith.index_cast %add3A_163 : i32 to index
        %get3A_178 = arith.constant 64 : index
        %get3A_179 = tpu.vector_load %arg15[%get3A_177, %get3A_178] {strides = array<i32>} : memref<128x128xf32, #tpu.memory_space<vmem>>, vector<1x16xf32>,
        %get3A_180 = vector.shape_cast %get3A_179 : vector<1x16xf32> to vector<16xf32>
        %get3A_181 = arith.index_cast %add3A_163 : i32 to index
        %get3A_182 = arith.constant 0 : index
        %get3A_183 = tpu.vector_load %arg16[%get3A_181, %get3A_182] {strides = array<i32>} : memref<128x128xf32, #tpu.memory_space<vmem>>, vector<1x16xf32>,
        %get3A_184 = vector.shape_cast %get3A_183 : vector<1x16xf32> to vector<16xf32>
        %get3A_185 = arith.index_cast %add3A_163 : i32 to index
        %get3A_186 = arith.constant 64 : index
        %get3A_187 = tpu.vector_load %arg16[%get3A_185, %get3A_186] {strides = array<i32>} : memref<128x128xf32, #tpu.memory_space<vmem>>, vector<1x16xf32>,
        %get3A_188 = vector.shape_cast %get3A_187 : vector<1x16xf32> to vector<16xf32>
        %mul3A_189 = arith.mulf %get3A_168, %get3A_176 : vector<16xf32>
        %mul3A_190 = arith.mulf %get3A_172, %get3A_180 : vector<16xf32>
        %add3A_191 = arith.addf %mul3A_189, %mul3A_190 : vector<16xf32>
        %mul3A_192 = arith.mulf %get3A_184, %add3A_191 : vector<16xf32>
        %add3A_193 = arith.addf %broadcast_in_dim3A_165, %mul3A_192 : vector<16xf32>
        %mul3A_194 = arith.mulf %get3A_168, %get3A_180 : vector<16xf32>
        %mul3A_195 = arith.mulf %get3A_172, %get3A_176 : vector<16xf32>
        %sub3A = arith.subf %mul3A_194, %mul3A_195 : vector<16xf32>
        %mul3A_196 = arith.mulf %get3A_188, %sub3A : vector<16xf32>
        %add3A_197 = arith.addf %add3A_193, %mul3A_196 : vector<16xf32>
        %get3A_198 = arith.index_cast %add3A_163 : i32 to index
        %get3A_199 = arith.constant 16 : index
        %get3A_200 = tpu.vector_load %arg14[%get3A_198, %get3A_199] {strides = array<i32>} : memref<128x128xf32, #tpu.memory_space<vmem>>, vector<1x16xf32>,
        %get3A_201 = vector.shape_cast %get3A_200 : vector<1x16xf32> to vector<16xf32>
        %get3A_202 = arith.index_cast %add3A_163 : i32 to index
        %get3A_203 = arith.constant 80 : index
        %get3A_204 = tpu.vector_load %arg14[%get3A_202, %get3A_203] {strides = array<i32>} : memref<128x128xf32, #tpu.memory_space<vmem>>, vector<1x16xf32>,
        %get3A_205 = vector.shape_cast %get3A_204 : vector<1x16xf32> to vector<16xf32>
        %get3A_206 = arith.index_cast %add3A_163 : i32 to index
        %get3A_207 = arith.constant 16 : index
        %get3A_208 = tpu.vector_load %arg15[%get3A_206, %get3A_207] {strides = array<i32>} : memref<128x128xf32, #tpu.memory_space<vmem>>, vector<1x16xf32>,
        %get3A_209 = vector.shape_cast %get3A_208 : vector<1x16xf32> to vector<16xf32>
        %get3A_210 = arith.index_cast %add3A_163 : i32 to index
        %get3A_211 = arith.constant 80 : index
        %get3A_212 = tpu.vector_load %arg15[%get3A_210, %get3A_211] {strides = array<i32>} : memref<128x128xf32, #tpu.memory_space<vmem>>, vector<1x16xf32>,
        %get3A_213 = vector.shape_cast %get3A_212 : vector<1x16xf32> to vector<16xf32>
        %get3A_214 = arith.index_cast %add3A_163 : i32 to index
        %get3A_215 = arith.constant 16 : index
        %get3A_216 = tpu.vector_load %arg16[%get3A_214, %get3A_215] {strides = array<i32>} : memref<128x128xf32, #tpu.memory_space<vmem>>, vector<1x16xf32>,
        %get3A_217 = vector.shape_cast %get3A_216 : vector<1x16xf32> to vector<16xf32>
        %get3A_218 = arith.index_cast %add3A_163 : i32 to index
        %get3A_219 = arith.constant 80 : index
        %get3A_220 = tpu.vector_load %arg16[%get3A_218, %get3A_219] {strides = array<i32>} : memref<128x128xf32, #tpu.memory_space<vmem>>, vector<1x16xf32>,
        %get3A_221 = vector.shape_cast %get3A_220 : vector<1x16xf32> to vector<16xf32>
        %mul3A_222 = arith.mulf %get3A_201, %get3A_209 : vector<16xf32>
        %mul3A_223 = arith.mulf %get3A_205, %get3A_213 : vector<16xf32>
        %add3A_224 = arith.addf %mul3A_222, %mul3A_223 : vector<16xf32>
        %mul3A_225 = arith.mulf %get3A_217, %add3A_224 : vector<16xf32>
        %add3A_226 = arith.addf %add3A_197, %mul3A_225 : vector<16xf32>
        %mul3A_227 = arith.mulf %get3A_201, %get3A_213 : vector<16xf32>
        %mul3A_228 = arith.mulf %get3A_205, %get3A_209 : vector<16xf32>
        %sub3A_229 = arith.subf %mul3A_227, %mul3A_228 : vector<16xf32>
        %mul3A_230 = arith.mulf %get3A_221, %sub3A_229 : vector<16xf32>
        %add3A_231 = arith.addf %add3A_226, %mul3A_230 : vector<16xf32>
        %get3A_232 = arith.index_cast %add3A_163 : i32 to index
        %get3A_233 = arith.constant 32 : index
        %get3A_234 = tpu.vector_load %arg14[%get3A_232, %get3A_233] {strides = array<i32>} : memref<128x128xf32, #tpu.memory_space<vmem>>, vector<1x16xf32>,
        %get3A_235 = vector.shape_cast %get3A_234 : vector<1x16xf32> to vector<16xf32>
        %get3A_236 = arith.index_cast %add3A_163 : i32 to index
        %get3A_237 = arith.constant 96 : index
        %get3A_238 = tpu.vector_load %arg14[%get3A_236, %get3A_237] {strides = array<i32>} : memref<128x128xf32, #tpu.memory_space<vmem>>, vector<1x16xf32>,
        %get3A_239 = vector.shape_cast %get3A_238 : vector<1x16xf32> to vector<16xf32>
        %get3A_240 = arith.index_cast %add3A_163 : i32 to index
        %get3A_241 = arith.constant 32 : index
        %get3A_242 = tpu.vector_load %arg15[%get3A_240, %get3A_241] {strides = array<i32>} : memref<128x128xf32, #tpu.memory_space<vmem>>, vector<1x16xf32>,
        %get3A_243 = vector.shape_cast %get3A_242 : vector<1x16xf32> to vector<16xf32>
        %get3A_244 = arith.index_cast %add3A_163 : i32 to index
        %get3A_245 = arith.constant 96 : index
        %get3A_246 = tpu.vector_load %arg15[%get3A_244, %get3A_245] {strides = array<i32>} : memref<128x128xf32, #tpu.memory_space<vmem>>, vector<1x16xf32>,
        %get3A_247 = vector.shape_cast %get3A_246 : vector<1x16xf32> to vector<16xf32>
        %get3A_248 = arith.index_cast %add3A_163 : i32 to index
        %get3A_249 = arith.constant 32 : index
        %get3A_250 = tpu.vector_load %arg16[%get3A_248, %get3A_249] {strides = array<i32>} : memref<128x128xf32, #tpu.memory_space<vmem>>, vector<1x16xf32>,
        %get3A_251 = vector.shape_cast %get3A_250 : vector<1x16xf32> to vector<16xf32>
        %get3A_252 = arith.index_cast %add3A_163 : i32 to index
        %get3A_253 = arith.constant 96 : index
        %get3A_254 = tpu.vector_load %arg16[%get3A_252, %get3A_253] {strides = array<i32>} : memref<128x128xf32, #tpu.memory_space<vmem>>, vector<1x16xf32>,
        %get3A_255 = vector.shape_cast %get3A_254 : vector<1x16xf32> to vector<16xf32>
        %mul3A_256 = arith.mulf %get3A_235, %get3A_243 : vector<16xf32>
        %mul3A_257 = arith.mulf %get3A_239, %get3A_247 : vector<16xf32>
        %add3A_258 = arith.addf %mul3A_256, %mul3A_257 : vector<16xf32>
        %mul3A_259 = arith.mulf %get3A_251, %add3A_258 : vector<16xf32>
        %add3A_260 = arith.addf %add3A_231, %mul3A_259 : vector<16xf32>
        %mul3A_261 = arith.mulf %get3A_235, %get3A_247 : vector<16xf32>
        %mul3A_262 = arith.mulf %get3A_239, %get3A_243 : vector<16xf32>
        %sub3A_263 = arith.subf %mul3A_261, %mul3A_262 : vector<16xf32>
        %mul3A_264 = arith.mulf %get3A_255, %sub3A_263 : vector<16xf32>
        %add3A_265 = arith.addf %add3A_260, %mul3A_264 : vector<16xf32>
        %get3A_266 = arith.index_cast %add3A_163 : i32 to index
        %get3A_267 = arith.constant 48 : index
        %get3A_268 = tpu.vector_load %arg14[%get3A_266, %get3A_267] {strides = array<i32>} : memref<128x128xf32, #tpu.memory_space<vmem>>, vector<1x16xf32>,
        %get3A_269 = vector.shape_cast %get3A_268 : vector<1x16xf32> to vector<16xf32>
        %get3A_270 = arith.index_cast %add3A_163 : i32 to index
        %get3A_271 = arith.constant 112 : index
        %get3A_272 = tpu.vector_load %arg14[%get3A_270, %get3A_271] {strides = array<i32>} : memref<128x128xf32, #tpu.memory_space<vmem>>, vector<1x16xf32>,
        %get3A_273 = vector.shape_cast %get3A_272 : vector<1x16xf32> to vector<16xf32>
        %get3A_274 = arith.index_cast %add3A_163 : i32 to index
        %get3A_275 = arith.constant 48 : index
        %get3A_276 = tpu.vector_load %arg15[%get3A_274, %get3A_275] {strides = array<i32>} : memref<128x128xf32, #tpu.memory_space<vmem>>, vector<1x16xf32>,
        %get3A_277 = vector.shape_cast %get3A_276 : vector<1x16xf32> to vector<16xf32>
        %get3A_278 = arith.index_cast %add3A_163 : i32 to index
        %get3A_279 = arith.constant 112 : index
        %get3A_280 = tpu.vector_load %arg15[%get3A_278, %get3A_279] {strides = array<i32>} : memref<128x128xf32, #tpu.memory_space<vmem>>, vector<1x16xf32>,
        %get3A_281 = vector.shape_cast %get3A_280 : vector<1x16xf32> to vector<16xf32>
        %get3A_282 = arith.index_cast %add3A_163 : i32 to index
        %get3A_283 = arith.constant 48 : index
        %get3A_284 = tpu.vector_load %arg16[%get3A_282, %get3A_283] {strides = array<i32>} : memref<128x128xf32, #tpu.memory_space<vmem>>, vector<1x16xf32>,
        %get3A_285 = vector.shape_cast %get3A_284 : vector<1x16xf32> to vector<16xf32>
        %get3A_286 = arith.index_cast %add3A_163 : i32 to index
        %get3A_287 = arith.constant 112 : index
        %get3A_288 = tpu.vector_load %arg16[%get3A_286, %get3A_287] {strides = array<i32>} : memref<128x128xf32, #tpu.memory_space<vmem>>, vector<1x16xf32>,
        %get3A_289 = vector.shape_cast %get3A_288 : vector<1x16xf32> to vector<16xf32>
        %mul3A_290 = arith.mulf %get3A_269, %get3A_277 : vector<16xf32>
        %mul3A_291 = arith.mulf %get3A_273, %get3A_281 : vector<16xf32>
        %add3A_292 = arith.addf %mul3A_290, %mul3A_291 : vector<16xf32>
        %mul3A_293 = arith.mulf %get3A_285, %add3A_292 : vector<16xf32>
        %add3A_294 = arith.addf %add3A_265, %mul3A_293 : vector<16xf32>
        %mul3A_295 = arith.mulf %get3A_269, %get3A_281 : vector<16xf32>
        %mul3A_296 = arith.mulf %get3A_273, %get3A_277 : vector<16xf32>
        %sub3A_297 = arith.subf %mul3A_295, %mul3A_296 : vector<16xf32>
        %mul3A_298 = arith.mulf %get3A_289, %sub3A_297 : vector<16xf32>
        %add3A_299 = arith.addf %add3A_294, %mul3A_298 : vector<16xf32>
        %xor3A = arith.constant 1 : i32
        %xor3A_300 = vector.broadcast %xor3A : i32 to vector<16xi32>
        %xor3A_301 = arith.xori %iota3A, %xor3A_300 : vector<16xi32>
        %broadcast_in_dim3A_302 = vector.shape_cast %xor3A_301 : vector<16xi32> to vector<16x1xi32>
        %gather3A = vector.shape_cast %broadcast_in_dim3A_302 : vector<16x1xi32> to vector<16xi32>
        %gather3A_303 = tpu.dynamic_gather %add3A_299[%gather3A] in [0] : vector<16xf32>, vector<16xi32> -> vector<16xf32>
        %add3A_304 = arith.addf %add3A_299, %gather3A_303 : vector<16xf32>
        %xor3A_305 = arith.constant 2 : i32
        %xor3A_306 = vector.broadcast %xor3A_305 : i32 to vector<16xi32>
        %xor3A_307 = arith.xori %iota3A, %xor3A_306 : vector<16xi32>
        %broadcast_in_dim3A_308 = vector.shape_cast %xor3A_307 : vector<16xi32> to vector<16x1xi32>
        %gather3A_309 = vector.shape_cast %broadcast_in_dim3A_308 : vector<16x1xi32> to vector<16xi32>
        %gather3A_310 = tpu.dynamic_gather %add3A_304[%gather3A_309] in [0] : vector<16xf32>, vector<16xi32> -> vector<16xf32>
        %add3A_311 = arith.addf %add3A_304, %gather3A_310 : vector<16xf32>
        %xor3A_312 = arith.constant 4 : i32
        %xor3A_313 = vector.broadcast %xor3A_312 : i32 to vector<16xi32>
        %xor3A_314 = arith.xori %iota3A, %xor3A_313 : vector<16xi32>
        %broadcast_in_dim3A_315 = vector.shape_cast %xor3A_314 : vector<16xi32> to vector<16x1xi32>
        %gather3A_316 = vector.shape_cast %broadcast_in_dim3A_315 : vector<16x1xi32> to vector<16xi32>
        %gather3A_317 = tpu.dynamic_gather %add3A_311[%gather3A_316] in [0] : vector<16xf32>, vector<16xi32> -> vector<16xf32>
        %add3A_318 = arith.addf %add3A_311, %gather3A_317 : vector<16xf32>
        %xor3A_319 = arith.constant 8 : i32
        %xor3A_320 = vector.broadcast %xor3A_319 : i32 to vector<16xi32>
        %xor3A_321 = arith.xori %iota3A, %xor3A_320 : vector<16xi32>
        %broadcast_in_dim3A_322 = vector.shape_cast %xor3A_321 : vector<16xi32> to vector<16x1xi32>
        %gather3A_323 = vector.shape_cast %broadcast_in_dim3A_322 : vector<16x1xi32> to vector<16xi32>
        %gather3A_324 = tpu.dynamic_gather %add3A_318[%gather3A_323] in [0] : vector<16xf32>, vector<16xi32> -> vector<16xf32>
        %add3A_325 = arith.addf %add3A_318, %gather3A_324 : vector<16xf32>
        %eq3A = vector.broadcast %scan3A_159 : i32 to vector<16xi32>
        %eq3A_326 = arith.cmpi eq, %iota3A, %eq3A : vector<16xi32>
        %select_n3A = arith.select %eq3A_326, %add3A_325, %scan3A_160 : vector<16xi1>, vector<16xf32>
        scf.yield %select_n3A : vector<16xf32>
      }
      %scan3A_151 = arith.constant 16 : i32
      %mul3A_152 = arith.constant 16 : i32
      %mul3A_153 = arith.muli %scan3A_144, %mul3A_152 : i32
      %add3A_154 = arith.constant 128 : i32
      %add3A_155 = arith.addi %add3A_154, %mul3A_153 : i32
      %swap3A = arith.index_cast %add3A_155 : i32 to index
      %swap3A_156 = tpu.vector_load %arg17[%swap3A] {strides = array<i32>} : memref<512xf32, #tpu.memory_space<vmem>>, vector<16xf32>,
      %swap3A_157 = vector.shape_cast %swap3A_156 : vector<16xf32> to vector<16xf32>
      %swap3A_158 = vector.shape_cast %scan3A_150 : vector<16xf32> to vector<16xf32>
      tpu.vector_store %arg17[%swap3A], %swap3A_158 {strides = array<i32>} : memref<512xf32, #tpu.memory_space<vmem>>, vector<16xf32>,
    }
    %scan3A_86 = arith.constant 8 : i32
    %dma_wait3A_87 = arith.constant 256 : i32
    %dma_wait3A_88 = tpu.memref_slice %arg8[%dma_wait3A_87] : memref<512xi32, #tpu.memory_space<vmem>> -> memref<128xi32, #tpu.memory_space<vmem>>
    %dma_wait3A_89 = arith.constant 0 : i32
    %dma_wait3A_90 = arith.constant 0 : i32
    %dma_wait3A_91 = tpu.memref_slice %arg5[%dma_wait3A_89, %dma_wait3A_90] : memref<1024x128xf32, #tpu.memory_space<hbm>> -> memref<1024x128xf32, #tpu.memory_space<hbm>>
    tpu.wait_indirect_dma semaphore(%arg18 : memref<!tpu.dma_semaphore, #tpu.memory_space<semaphore_mem>>) src(%dma_wait3A_91 : memref<1024x128xf32, #tpu.memory_space<hbm>>) dst(%arg11 : memref<128x128xf32, #tpu.memory_space<vmem>>)
    %dma_wait3A_92 = arith.constant 256 : i32
    %dma_wait3A_93 = tpu.memref_slice %arg10[%dma_wait3A_92] : memref<512xi32, #tpu.memory_space<vmem>> -> memref<128xi32, #tpu.memory_space<vmem>>
    %dma_wait3A_94 = arith.constant 0 : i32
    %dma_wait3A_95 = arith.constant 0 : i32
    %dma_wait3A_96 = tpu.memref_slice %arg5[%dma_wait3A_94, %dma_wait3A_95] : memref<1024x128xf32, #tpu.memory_space<hbm>> -> memref<1024x128xf32, #tpu.memory_space<hbm>>
    tpu.wait_indirect_dma semaphore(%arg18 : memref<!tpu.dma_semaphore, #tpu.memory_space<semaphore_mem>>) src(%dma_wait3A_96 : memref<1024x128xf32, #tpu.memory_space<hbm>>) dst(%arg12 : memref<128x128xf32, #tpu.memory_space<vmem>>)
    %dma_wait3A_97 = arith.constant 256 : i32
    %dma_wait3A_98 = tpu.memref_slice %arg9[%dma_wait3A_97] : memref<512xi32, #tpu.memory_space<vmem>> -> memref<128xi32, #tpu.memory_space<vmem>>
    %dma_wait3A_99 = arith.constant 0 : i32
    %dma_wait3A_100 = arith.constant 0 : i32
    %dma_wait3A_101 = tpu.memref_slice %arg6[%dma_wait3A_99, %dma_wait3A_100] : memref<1000x128xf32, #tpu.memory_space<hbm>> -> memref<1000x128xf32, #tpu.memory_space<hbm>>
    tpu.wait_indirect_dma semaphore(%arg18 : memref<!tpu.dma_semaphore, #tpu.memory_space<semaphore_mem>>) src(%dma_wait3A_101 : memref<1000x128xf32, #tpu.memory_space<hbm>>) dst(%arg13 : memref<128x128xf32, #tpu.memory_space<vmem>>)
    %dma_start3A_102 = arith.constant 384 : i32
    %dma_start3A_103 = tpu.memref_slice %arg8[%dma_start3A_102] : memref<512xi32, #tpu.memory_space<vmem>> -> memref<128xi32, #tpu.memory_space<vmem>>
    %dma_start3A_104 = arith.constant 0 : i32
    %dma_start3A_105 = arith.constant 0 : i32
    %dma_start3A_106 = tpu.memref_slice %arg5[%dma_start3A_104, %dma_start3A_105] : memref<1024x128xf32, #tpu.memory_space<hbm>> -> memref<1024x128xf32, #tpu.memory_space<hbm>>
    tpu.enqueue_indirect_dma source(%dma_start3A_106 : memref<1024x128xf32, #tpu.memory_space<hbm>>) target(%arg14 : memref<128x128xf32, #tpu.memory_space<vmem>>) offsets(%dma_start3A_103 : memref<128xi32, #tpu.memory_space<vmem>>) semaphore(%arg19 : memref<!tpu.dma_semaphore, #tpu.memory_space<semaphore_mem>>)
    %dma_start3A_107 = arith.constant 384 : i32
    %dma_start3A_108 = tpu.memref_slice %arg10[%dma_start3A_107] : memref<512xi32, #tpu.memory_space<vmem>> -> memref<128xi32, #tpu.memory_space<vmem>>
    %dma_start3A_109 = arith.constant 0 : i32
    %dma_start3A_110 = arith.constant 0 : i32
    %dma_start3A_111 = tpu.memref_slice %arg5[%dma_start3A_109, %dma_start3A_110] : memref<1024x128xf32, #tpu.memory_space<hbm>> -> memref<1024x128xf32, #tpu.memory_space<hbm>>
    tpu.enqueue_indirect_dma source(%dma_start3A_111 : memref<1024x128xf32, #tpu.memory_space<hbm>>) target(%arg15 : memref<128x128xf32, #tpu.memory_space<vmem>>) offsets(%dma_start3A_108 : memref<128xi32, #tpu.memory_space<vmem>>) semaphore(%arg19 : memref<!tpu.dma_semaphore, #tpu.memory_space<semaphore_mem>>)
    %dma_start3A_112 = arith.constant 384 : i32
    %dma_start3A_113 = tpu.memref_slice %arg9[%dma_start3A_112] : memref<512xi32, #tpu.memory_space<vmem>> -> memref<128xi32, #tpu.memory_space<vmem>>
    %dma_start3A_114 = arith.constant 0 : i32
    %dma_start3A_115 = arith.constant 0 : i32
    %dma_start3A_116 = tpu.memref_slice %arg6[%dma_start3A_114, %dma_start3A_115] : memref<1000x128xf32, #tpu.memory_space<hbm>> -> memref<1000x128xf32, #tpu.memory_space<hbm>>
    tpu.enqueue_indirect_dma source(%dma_start3A_116 : memref<1000x128xf32, #tpu.memory_space<hbm>>) target(%arg16 : memref<128x128xf32, #tpu.memory_space<vmem>>) offsets(%dma_start3A_113 : memref<128xi32, #tpu.memory_space<vmem>>) semaphore(%arg19 : memref<!tpu.dma_semaphore, #tpu.memory_space<semaphore_mem>>)
    %scan3A_117 = arith.constant 0 : i32
    %scan3A_118 = arith.constant 0 : i32
    %scan3A_119 = arith.constant 8 : i32
    %scan3A_120 = arith.addi %scan3A_118, %scan3A_119 : i32
    %scan3A_121 = arith.constant 1 : i32
    scf.for %scan3A_144 = %scan3A_118 to %scan3A_120 step %scan3A_121  : i32 {
      %broadcast_in_dim3A = arith.constant 0.000000e+00 : f32
      %broadcast_in_dim3A_145 = vector.broadcast %broadcast_in_dim3A : f32 to vector<16xf32>
      %scan3A_146 = arith.constant 0 : i32
      %scan3A_147 = arith.constant 16 : i32
      %scan3A_148 = arith.addi %scan3A_146, %scan3A_147 : i32
      %scan3A_149 = arith.constant 1 : i32
      %scan3A_150 = scf.for %scan3A_159 = %scan3A_146 to %scan3A_148 step %scan3A_149 iter_args(%scan3A_160 = %broadcast_in_dim3A_145) -> (vector<16xf32>)  : i32 {
        %mul3A_161 = arith.constant 16 : i32
        %mul3A_162 = arith.muli %scan3A_144, %mul3A_161 : i32
        %add3A_163 = arith.addi %mul3A_162, %scan3A_159 : i32
        %broadcast_in_dim3A_164 = arith.constant 0.000000e+00 : f32
        %broadcast_in_dim3A_165 = vector.broadcast %broadcast_in_dim3A_164 : f32 to vector<16xf32>
        %get3A = arith.index_cast %add3A_163 : i32 to index
        %get3A_166 = arith.constant 0 : index
        %get3A_167 = tpu.vector_load %arg11[%get3A, %get3A_166] {strides = array<i32>} : memref<128x128xf32, #tpu.memory_space<vmem>>, vector<1x16xf32>,
        %get3A_168 = vector.shape_cast %get3A_167 : vector<1x16xf32> to vector<16xf32>
        %get3A_169 = arith.index_cast %add3A_163 : i32 to index
        %get3A_170 = arith.constant 64 : index
        %get3A_171 = tpu.vector_load %arg11[%get3A_169, %get3A_170] {strides = array<i32>} : memref<128x128xf32, #tpu.memory_space<vmem>>, vector<1x16xf32>,
        %get3A_172 = vector.shape_cast %get3A_171 : vector<1x16xf32> to vector<16xf32>
        %get3A_173 = arith.index_cast %add3A_163 : i32 to index
        %get3A_174 = arith.constant 0 : index
        %get3A_175 = tpu.vector_load %arg12[%get3A_173, %get3A_174] {strides = array<i32>} : memref<128x128xf32, #tpu.memory_space<vmem>>, vector<1x16xf32>,
        %get3A_176 = vector.shape_cast %get3A_175 : vector<1x16xf32> to vector<16xf32>
        %get3A_177 = arith.index_cast %add3A_163 : i32 to index
        %get3A_178 = arith.constant 64 : index
        %get3A_179 = tpu.vector_load %arg12[%get3A_177, %get3A_178] {strides = array<i32>} : memref<128x128xf32, #tpu.memory_space<vmem>>, vector<1x16xf32>,
        %get3A_180 = vector.shape_cast %get3A_179 : vector<1x16xf32> to vector<16xf32>
        %get3A_181 = arith.index_cast %add3A_163 : i32 to index
        %get3A_182 = arith.constant 0 : index
        %get3A_183 = tpu.vector_load %arg13[%get3A_181, %get3A_182] {strides = array<i32>} : memref<128x128xf32, #tpu.memory_space<vmem>>, vector<1x16xf32>,
        %get3A_184 = vector.shape_cast %get3A_183 : vector<1x16xf32> to vector<16xf32>
        %get3A_185 = arith.index_cast %add3A_163 : i32 to index
        %get3A_186 = arith.constant 64 : index
        %get3A_187 = tpu.vector_load %arg13[%get3A_185, %get3A_186] {strides = array<i32>} : memref<128x128xf32, #tpu.memory_space<vmem>>, vector<1x16xf32>,
        %get3A_188 = vector.shape_cast %get3A_187 : vector<1x16xf32> to vector<16xf32>
        %mul3A_189 = arith.mulf %get3A_168, %get3A_176 : vector<16xf32>
        %mul3A_190 = arith.mulf %get3A_172, %get3A_180 : vector<16xf32>
        %add3A_191 = arith.addf %mul3A_189, %mul3A_190 : vector<16xf32>
        %mul3A_192 = arith.mulf %get3A_184, %add3A_191 : vector<16xf32>
        %add3A_193 = arith.addf %broadcast_in_dim3A_165, %mul3A_192 : vector<16xf32>
        %mul3A_194 = arith.mulf %get3A_168, %get3A_180 : vector<16xf32>
        %mul3A_195 = arith.mulf %get3A_172, %get3A_176 : vector<16xf32>
        %sub3A = arith.subf %mul3A_194, %mul3A_195 : vector<16xf32>
        %mul3A_196 = arith.mulf %get3A_188, %sub3A : vector<16xf32>
        %add3A_197 = arith.addf %add3A_193, %mul3A_196 : vector<16xf32>
        %get3A_198 = arith.index_cast %add3A_163 : i32 to index
        %get3A_199 = arith.constant 16 : index
        %get3A_200 = tpu.vector_load %arg11[%get3A_198, %get3A_199] {strides = array<i32>} : memref<128x128xf32, #tpu.memory_space<vmem>>, vector<1x16xf32>,
        %get3A_201 = vector.shape_cast %get3A_200 : vector<1x16xf32> to vector<16xf32>
        %get3A_202 = arith.index_cast %add3A_163 : i32 to index
        %get3A_203 = arith.constant 80 : index
        %get3A_204 = tpu.vector_load %arg11[%get3A_202, %get3A_203] {strides = array<i32>} : memref<128x128xf32, #tpu.memory_space<vmem>>, vector<1x16xf32>,
        %get3A_205 = vector.shape_cast %get3A_204 : vector<1x16xf32> to vector<16xf32>
        %get3A_206 = arith.index_cast %add3A_163 : i32 to index
        %get3A_207 = arith.constant 16 : index
        %get3A_208 = tpu.vector_load %arg12[%get3A_206, %get3A_207] {strides = array<i32>} : memref<128x128xf32, #tpu.memory_space<vmem>>, vector<1x16xf32>,
        %get3A_209 = vector.shape_cast %get3A_208 : vector<1x16xf32> to vector<16xf32>
        %get3A_210 = arith.index_cast %add3A_163 : i32 to index
        %get3A_211 = arith.constant 80 : index
        %get3A_212 = tpu.vector_load %arg12[%get3A_210, %get3A_211] {strides = array<i32>} : memref<128x128xf32, #tpu.memory_space<vmem>>, vector<1x16xf32>,
        %get3A_213 = vector.shape_cast %get3A_212 : vector<1x16xf32> to vector<16xf32>
        %get3A_214 = arith.index_cast %add3A_163 : i32 to index
        %get3A_215 = arith.constant 16 : index
        %get3A_216 = tpu.vector_load %arg13[%get3A_214, %get3A_215] {strides = array<i32>} : memref<128x128xf32, #tpu.memory_space<vmem>>, vector<1x16xf32>,
        %get3A_217 = vector.shape_cast %get3A_216 : vector<1x16xf32> to vector<16xf32>
        %get3A_218 = arith.index_cast %add3A_163 : i32 to index
        %get3A_219 = arith.constant 80 : index
        %get3A_220 = tpu.vector_load %arg13[%get3A_218, %get3A_219] {strides = array<i32>} : memref<128x128xf32, #tpu.memory_space<vmem>>, vector<1x16xf32>,
        %get3A_221 = vector.shape_cast %get3A_220 : vector<1x16xf32> to vector<16xf32>
        %mul3A_222 = arith.mulf %get3A_201, %get3A_209 : vector<16xf32>
        %mul3A_223 = arith.mulf %get3A_205, %get3A_213 : vector<16xf32>
        %add3A_224 = arith.addf %mul3A_222, %mul3A_223 : vector<16xf32>
        %mul3A_225 = arith.mulf %get3A_217, %add3A_224 : vector<16xf32>
        %add3A_226 = arith.addf %add3A_197, %mul3A_225 : vector<16xf32>
        %mul3A_227 = arith.mulf %get3A_201, %get3A_213 : vector<16xf32>
        %mul3A_228 = arith.mulf %get3A_205, %get3A_209 : vector<16xf32>
        %sub3A_229 = arith.subf %mul3A_227, %mul3A_228 : vector<16xf32>
        %mul3A_230 = arith.mulf %get3A_221, %sub3A_229 : vector<16xf32>
        %add3A_231 = arith.addf %add3A_226, %mul3A_230 : vector<16xf32>
        %get3A_232 = arith.index_cast %add3A_163 : i32 to index
        %get3A_233 = arith.constant 32 : index
        %get3A_234 = tpu.vector_load %arg11[%get3A_232, %get3A_233] {strides = array<i32>} : memref<128x128xf32, #tpu.memory_space<vmem>>, vector<1x16xf32>,
        %get3A_235 = vector.shape_cast %get3A_234 : vector<1x16xf32> to vector<16xf32>
        %get3A_236 = arith.index_cast %add3A_163 : i32 to index
        %get3A_237 = arith.constant 96 : index
        %get3A_238 = tpu.vector_load %arg11[%get3A_236, %get3A_237] {strides = array<i32>} : memref<128x128xf32, #tpu.memory_space<vmem>>, vector<1x16xf32>,
        %get3A_239 = vector.shape_cast %get3A_238 : vector<1x16xf32> to vector<16xf32>
        %get3A_240 = arith.index_cast %add3A_163 : i32 to index
        %get3A_241 = arith.constant 32 : index
        %get3A_242 = tpu.vector_load %arg12[%get3A_240, %get3A_241] {strides = array<i32>} : memref<128x128xf32, #tpu.memory_space<vmem>>, vector<1x16xf32>,
        %get3A_243 = vector.shape_cast %get3A_242 : vector<1x16xf32> to vector<16xf32>
        %get3A_244 = arith.index_cast %add3A_163 : i32 to index
        %get3A_245 = arith.constant 96 : index
        %get3A_246 = tpu.vector_load %arg12[%get3A_244, %get3A_245] {strides = array<i32>} : memref<128x128xf32, #tpu.memory_space<vmem>>, vector<1x16xf32>,
        %get3A_247 = vector.shape_cast %get3A_246 : vector<1x16xf32> to vector<16xf32>
        %get3A_248 = arith.index_cast %add3A_163 : i32 to index
        %get3A_249 = arith.constant 32 : index
        %get3A_250 = tpu.vector_load %arg13[%get3A_248, %get3A_249] {strides = array<i32>} : memref<128x128xf32, #tpu.memory_space<vmem>>, vector<1x16xf32>,
        %get3A_251 = vector.shape_cast %get3A_250 : vector<1x16xf32> to vector<16xf32>
        %get3A_252 = arith.index_cast %add3A_163 : i32 to index
        %get3A_253 = arith.constant 96 : index
        %get3A_254 = tpu.vector_load %arg13[%get3A_252, %get3A_253] {strides = array<i32>} : memref<128x128xf32, #tpu.memory_space<vmem>>, vector<1x16xf32>,
        %get3A_255 = vector.shape_cast %get3A_254 : vector<1x16xf32> to vector<16xf32>
        %mul3A_256 = arith.mulf %get3A_235, %get3A_243 : vector<16xf32>
        %mul3A_257 = arith.mulf %get3A_239, %get3A_247 : vector<16xf32>
        %add3A_258 = arith.addf %mul3A_256, %mul3A_257 : vector<16xf32>
        %mul3A_259 = arith.mulf %get3A_251, %add3A_258 : vector<16xf32>
        %add3A_260 = arith.addf %add3A_231, %mul3A_259 : vector<16xf32>
        %mul3A_261 = arith.mulf %get3A_235, %get3A_247 : vector<16xf32>
        %mul3A_262 = arith.mulf %get3A_239, %get3A_243 : vector<16xf32>
        %sub3A_263 = arith.subf %mul3A_261, %mul3A_262 : vector<16xf32>
        %mul3A_264 = arith.mulf %get3A_255, %sub3A_263 : vector<16xf32>
        %add3A_265 = arith.addf %add3A_260, %mul3A_264 : vector<16xf32>
        %get3A_266 = arith.index_cast %add3A_163 : i32 to index
        %get3A_267 = arith.constant 48 : index
        %get3A_268 = tpu.vector_load %arg11[%get3A_266, %get3A_267] {strides = array<i32>} : memref<128x128xf32, #tpu.memory_space<vmem>>, vector<1x16xf32>,
        %get3A_269 = vector.shape_cast %get3A_268 : vector<1x16xf32> to vector<16xf32>
        %get3A_270 = arith.index_cast %add3A_163 : i32 to index
        %get3A_271 = arith.constant 112 : index
        %get3A_272 = tpu.vector_load %arg11[%get3A_270, %get3A_271] {strides = array<i32>} : memref<128x128xf32, #tpu.memory_space<vmem>>, vector<1x16xf32>,
        %get3A_273 = vector.shape_cast %get3A_272 : vector<1x16xf32> to vector<16xf32>
        %get3A_274 = arith.index_cast %add3A_163 : i32 to index
        %get3A_275 = arith.constant 48 : index
        %get3A_276 = tpu.vector_load %arg12[%get3A_274, %get3A_275] {strides = array<i32>} : memref<128x128xf32, #tpu.memory_space<vmem>>, vector<1x16xf32>,
        %get3A_277 = vector.shape_cast %get3A_276 : vector<1x16xf32> to vector<16xf32>
        %get3A_278 = arith.index_cast %add3A_163 : i32 to index
        %get3A_279 = arith.constant 112 : index
        %get3A_280 = tpu.vector_load %arg12[%get3A_278, %get3A_279] {strides = array<i32>} : memref<128x128xf32, #tpu.memory_space<vmem>>, vector<1x16xf32>,
        %get3A_281 = vector.shape_cast %get3A_280 : vector<1x16xf32> to vector<16xf32>
        %get3A_282 = arith.index_cast %add3A_163 : i32 to index
        %get3A_283 = arith.constant 48 : index
        %get3A_284 = tpu.vector_load %arg13[%get3A_282, %get3A_283] {strides = array<i32>} : memref<128x128xf32, #tpu.memory_space<vmem>>, vector<1x16xf32>,
        %get3A_285 = vector.shape_cast %get3A_284 : vector<1x16xf32> to vector<16xf32>
        %get3A_286 = arith.index_cast %add3A_163 : i32 to index
        %get3A_287 = arith.constant 112 : index
        %get3A_288 = tpu.vector_load %arg13[%get3A_286, %get3A_287] {strides = array<i32>} : memref<128x128xf32, #tpu.memory_space<vmem>>, vector<1x16xf32>,
        %get3A_289 = vector.shape_cast %get3A_288 : vector<1x16xf32> to vector<16xf32>
        %mul3A_290 = arith.mulf %get3A_269, %get3A_277 : vector<16xf32>
        %mul3A_291 = arith.mulf %get3A_273, %get3A_281 : vector<16xf32>
        %add3A_292 = arith.addf %mul3A_290, %mul3A_291 : vector<16xf32>
        %mul3A_293 = arith.mulf %get3A_285, %add3A_292 : vector<16xf32>
        %add3A_294 = arith.addf %add3A_265, %mul3A_293 : vector<16xf32>
        %mul3A_295 = arith.mulf %get3A_269, %get3A_281 : vector<16xf32>
        %mul3A_296 = arith.mulf %get3A_273, %get3A_277 : vector<16xf32>
        %sub3A_297 = arith.subf %mul3A_295, %mul3A_296 : vector<16xf32>
        %mul3A_298 = arith.mulf %get3A_289, %sub3A_297 : vector<16xf32>
        %add3A_299 = arith.addf %add3A_294, %mul3A_298 : vector<16xf32>
        %xor3A = arith.constant 1 : i32
        %xor3A_300 = vector.broadcast %xor3A : i32 to vector<16xi32>
        %xor3A_301 = arith.xori %iota3A, %xor3A_300 : vector<16xi32>
        %broadcast_in_dim3A_302 = vector.shape_cast %xor3A_301 : vector<16xi32> to vector<16x1xi32>
        %gather3A = vector.shape_cast %broadcast_in_dim3A_302 : vector<16x1xi32> to vector<16xi32>
        %gather3A_303 = tpu.dynamic_gather %add3A_299[%gather3A] in [0] : vector<16xf32>, vector<16xi32> -> vector<16xf32>
        %add3A_304 = arith.addf %add3A_299, %gather3A_303 : vector<16xf32>
        %xor3A_305 = arith.constant 2 : i32
        %xor3A_306 = vector.broadcast %xor3A_305 : i32 to vector<16xi32>
        %xor3A_307 = arith.xori %iota3A, %xor3A_306 : vector<16xi32>
        %broadcast_in_dim3A_308 = vector.shape_cast %xor3A_307 : vector<16xi32> to vector<16x1xi32>
        %gather3A_309 = vector.shape_cast %broadcast_in_dim3A_308 : vector<16x1xi32> to vector<16xi32>
        %gather3A_310 = tpu.dynamic_gather %add3A_304[%gather3A_309] in [0] : vector<16xf32>, vector<16xi32> -> vector<16xf32>
        %add3A_311 = arith.addf %add3A_304, %gather3A_310 : vector<16xf32>
        %xor3A_312 = arith.constant 4 : i32
        %xor3A_313 = vector.broadcast %xor3A_312 : i32 to vector<16xi32>
        %xor3A_314 = arith.xori %iota3A, %xor3A_313 : vector<16xi32>
        %broadcast_in_dim3A_315 = vector.shape_cast %xor3A_314 : vector<16xi32> to vector<16x1xi32>
        %gather3A_316 = vector.shape_cast %broadcast_in_dim3A_315 : vector<16x1xi32> to vector<16xi32>
        %gather3A_317 = tpu.dynamic_gather %add3A_311[%gather3A_316] in [0] : vector<16xf32>, vector<16xi32> -> vector<16xf32>
        %add3A_318 = arith.addf %add3A_311, %gather3A_317 : vector<16xf32>
        %xor3A_319 = arith.constant 8 : i32
        %xor3A_320 = vector.broadcast %xor3A_319 : i32 to vector<16xi32>
        %xor3A_321 = arith.xori %iota3A, %xor3A_320 : vector<16xi32>
        %broadcast_in_dim3A_322 = vector.shape_cast %xor3A_321 : vector<16xi32> to vector<16x1xi32>
        %gather3A_323 = vector.shape_cast %broadcast_in_dim3A_322 : vector<16x1xi32> to vector<16xi32>
        %gather3A_324 = tpu.dynamic_gather %add3A_318[%gather3A_323] in [0] : vector<16xf32>, vector<16xi32> -> vector<16xf32>
        %add3A_325 = arith.addf %add3A_318, %gather3A_324 : vector<16xf32>
        %eq3A = vector.broadcast %scan3A_159 : i32 to vector<16xi32>
        %eq3A_326 = arith.cmpi eq, %iota3A, %eq3A : vector<16xi32>
        %select_n3A = arith.select %eq3A_326, %add3A_325, %scan3A_160 : vector<16xi1>, vector<16xf32>
        scf.yield %select_n3A : vector<16xf32>
      }
      %scan3A_151 = arith.constant 16 : i32
      %mul3A_152 = arith.constant 16 : i32
      %mul3A_153 = arith.muli %scan3A_144, %mul3A_152 : i32
      %add3A_154 = arith.constant 256 : i32
      %add3A_155 = arith.addi %add3A_154, %mul3A_153 : i32
      %swap3A = arith.index_cast %add3A_155 : i32 to index
      %swap3A_156 = tpu.vector_load %arg17[%swap3A] {strides = array<i32>} : memref<512xf32, #tpu.memory_space<vmem>>, vector<16xf32>,
      %swap3A_157 = vector.shape_cast %swap3A_156 : vector<16xf32> to vector<16xf32>
      %swap3A_158 = vector.shape_cast %scan3A_150 : vector<16xf32> to vector<16xf32>
      tpu.vector_store %arg17[%swap3A], %swap3A_158 {strides = array<i32>} : memref<512xf32, #tpu.memory_space<vmem>>, vector<16xf32>,
    }
    %scan3A_122 = arith.constant 8 : i32
    %dma_wait3A_123 = arith.constant 384 : i32
    %dma_wait3A_124 = tpu.memref_slice %arg8[%dma_wait3A_123] : memref<512xi32, #tpu.memory_space<vmem>> -> memref<128xi32, #tpu.memory_space<vmem>>
    %dma_wait3A_125 = arith.constant 0 : i32
    %dma_wait3A_126 = arith.constant 0 : i32
    %dma_wait3A_127 = tpu.memref_slice %arg5[%dma_wait3A_125, %dma_wait3A_126] : memref<1024x128xf32, #tpu.memory_space<hbm>> -> memref<1024x128xf32, #tpu.memory_space<hbm>>
    tpu.wait_indirect_dma semaphore(%arg19 : memref<!tpu.dma_semaphore, #tpu.memory_space<semaphore_mem>>) src(%dma_wait3A_127 : memref<1024x128xf32, #tpu.memory_space<hbm>>) dst(%arg14 : memref<128x128xf32, #tpu.memory_space<vmem>>)
    %dma_wait3A_128 = arith.constant 384 : i32
    %dma_wait3A_129 = tpu.memref_slice %arg10[%dma_wait3A_128] : memref<512xi32, #tpu.memory_space<vmem>> -> memref<128xi32, #tpu.memory_space<vmem>>
    %dma_wait3A_130 = arith.constant 0 : i32
    %dma_wait3A_131 = arith.constant 0 : i32
    %dma_wait3A_132 = tpu.memref_slice %arg5[%dma_wait3A_130, %dma_wait3A_131] : memref<1024x128xf32, #tpu.memory_space<hbm>> -> memref<1024x128xf32, #tpu.memory_space<hbm>>
    tpu.wait_indirect_dma semaphore(%arg19 : memref<!tpu.dma_semaphore, #tpu.memory_space<semaphore_mem>>) src(%dma_wait3A_132 : memref<1024x128xf32, #tpu.memory_space<hbm>>) dst(%arg15 : memref<128x128xf32, #tpu.memory_space<vmem>>)
    %dma_wait3A_133 = arith.constant 384 : i32
    %dma_wait3A_134 = tpu.memref_slice %arg9[%dma_wait3A_133] : memref<512xi32, #tpu.memory_space<vmem>> -> memref<128xi32, #tpu.memory_space<vmem>>
    %dma_wait3A_135 = arith.constant 0 : i32
    %dma_wait3A_136 = arith.constant 0 : i32
    %dma_wait3A_137 = tpu.memref_slice %arg6[%dma_wait3A_135, %dma_wait3A_136] : memref<1000x128xf32, #tpu.memory_space<hbm>> -> memref<1000x128xf32, #tpu.memory_space<hbm>>
    tpu.wait_indirect_dma semaphore(%arg19 : memref<!tpu.dma_semaphore, #tpu.memory_space<semaphore_mem>>) src(%dma_wait3A_137 : memref<1000x128xf32, #tpu.memory_space<hbm>>) dst(%arg16 : memref<128x128xf32, #tpu.memory_space<vmem>>)
    %scan3A_138 = arith.constant 0 : i32
    %scan3A_139 = arith.constant 0 : i32
    %scan3A_140 = arith.constant 8 : i32
    %scan3A_141 = arith.addi %scan3A_139, %scan3A_140 : i32
    %scan3A_142 = arith.constant 1 : i32
    scf.for %scan3A_144 = %scan3A_139 to %scan3A_141 step %scan3A_142  : i32 {
      %broadcast_in_dim3A = arith.constant 0.000000e+00 : f32
      %broadcast_in_dim3A_145 = vector.broadcast %broadcast_in_dim3A : f32 to vector<16xf32>
      %scan3A_146 = arith.constant 0 : i32
      %scan3A_147 = arith.constant 16 : i32
      %scan3A_148 = arith.addi %scan3A_146, %scan3A_147 : i32
      %scan3A_149 = arith.constant 1 : i32
      %scan3A_150 = scf.for %scan3A_159 = %scan3A_146 to %scan3A_148 step %scan3A_149 iter_args(%scan3A_160 = %broadcast_in_dim3A_145) -> (vector<16xf32>)  : i32 {
        %mul3A_161 = arith.constant 16 : i32
        %mul3A_162 = arith.muli %scan3A_144, %mul3A_161 : i32
        %add3A_163 = arith.addi %mul3A_162, %scan3A_159 : i32
        %broadcast_in_dim3A_164 = arith.constant 0.000000e+00 : f32
        %broadcast_in_dim3A_165 = vector.broadcast %broadcast_in_dim3A_164 : f32 to vector<16xf32>
        %get3A = arith.index_cast %add3A_163 : i32 to index
        %get3A_166 = arith.constant 0 : index
        %get3A_167 = tpu.vector_load %arg14[%get3A, %get3A_166] {strides = array<i32>} : memref<128x128xf32, #tpu.memory_space<vmem>>, vector<1x16xf32>,
        %get3A_168 = vector.shape_cast %get3A_167 : vector<1x16xf32> to vector<16xf32>
        %get3A_169 = arith.index_cast %add3A_163 : i32 to index
        %get3A_170 = arith.constant 64 : index
        %get3A_171 = tpu.vector_load %arg14[%get3A_169, %get3A_170] {strides = array<i32>} : memref<128x128xf32, #tpu.memory_space<vmem>>, vector<1x16xf32>,
        %get3A_172 = vector.shape_cast %get3A_171 : vector<1x16xf32> to vector<16xf32>
        %get3A_173 = arith.index_cast %add3A_163 : i32 to index
        %get3A_174 = arith.constant 0 : index
        %get3A_175 = tpu.vector_load %arg15[%get3A_173, %get3A_174] {strides = array<i32>} : memref<128x128xf32, #tpu.memory_space<vmem>>, vector<1x16xf32>,
        %get3A_176 = vector.shape_cast %get3A_175 : vector<1x16xf32> to vector<16xf32>
        %get3A_177 = arith.index_cast %add3A_163 : i32 to index
        %get3A_178 = arith.constant 64 : index
        %get3A_179 = tpu.vector_load %arg15[%get3A_177, %get3A_178] {strides = array<i32>} : memref<128x128xf32, #tpu.memory_space<vmem>>, vector<1x16xf32>,
        %get3A_180 = vector.shape_cast %get3A_179 : vector<1x16xf32> to vector<16xf32>
        %get3A_181 = arith.index_cast %add3A_163 : i32 to index
        %get3A_182 = arith.constant 0 : index
        %get3A_183 = tpu.vector_load %arg16[%get3A_181, %get3A_182] {strides = array<i32>} : memref<128x128xf32, #tpu.memory_space<vmem>>, vector<1x16xf32>,
        %get3A_184 = vector.shape_cast %get3A_183 : vector<1x16xf32> to vector<16xf32>
        %get3A_185 = arith.index_cast %add3A_163 : i32 to index
        %get3A_186 = arith.constant 64 : index
        %get3A_187 = tpu.vector_load %arg16[%get3A_185, %get3A_186] {strides = array<i32>} : memref<128x128xf32, #tpu.memory_space<vmem>>, vector<1x16xf32>,
        %get3A_188 = vector.shape_cast %get3A_187 : vector<1x16xf32> to vector<16xf32>
        %mul3A_189 = arith.mulf %get3A_168, %get3A_176 : vector<16xf32>
        %mul3A_190 = arith.mulf %get3A_172, %get3A_180 : vector<16xf32>
        %add3A_191 = arith.addf %mul3A_189, %mul3A_190 : vector<16xf32>
        %mul3A_192 = arith.mulf %get3A_184, %add3A_191 : vector<16xf32>
        %add3A_193 = arith.addf %broadcast_in_dim3A_165, %mul3A_192 : vector<16xf32>
        %mul3A_194 = arith.mulf %get3A_168, %get3A_180 : vector<16xf32>
        %mul3A_195 = arith.mulf %get3A_172, %get3A_176 : vector<16xf32>
        %sub3A = arith.subf %mul3A_194, %mul3A_195 : vector<16xf32>
        %mul3A_196 = arith.mulf %get3A_188, %sub3A : vector<16xf32>
        %add3A_197 = arith.addf %add3A_193, %mul3A_196 : vector<16xf32>
        %get3A_198 = arith.index_cast %add3A_163 : i32 to index
        %get3A_199 = arith.constant 16 : index
        %get3A_200 = tpu.vector_load %arg14[%get3A_198, %get3A_199] {strides = array<i32>} : memref<128x128xf32, #tpu.memory_space<vmem>>, vector<1x16xf32>,
        %get3A_201 = vector.shape_cast %get3A_200 : vector<1x16xf32> to vector<16xf32>
        %get3A_202 = arith.index_cast %add3A_163 : i32 to index
        %get3A_203 = arith.constant 80 : index
        %get3A_204 = tpu.vector_load %arg14[%get3A_202, %get3A_203] {strides = array<i32>} : memref<128x128xf32, #tpu.memory_space<vmem>>, vector<1x16xf32>,
        %get3A_205 = vector.shape_cast %get3A_204 : vector<1x16xf32> to vector<16xf32>
        %get3A_206 = arith.index_cast %add3A_163 : i32 to index
        %get3A_207 = arith.constant 16 : index
        %get3A_208 = tpu.vector_load %arg15[%get3A_206, %get3A_207] {strides = array<i32>} : memref<128x128xf32, #tpu.memory_space<vmem>>, vector<1x16xf32>,
        %get3A_209 = vector.shape_cast %get3A_208 : vector<1x16xf32> to vector<16xf32>
        %get3A_210 = arith.index_cast %add3A_163 : i32 to index
        %get3A_211 = arith.constant 80 : index
        %get3A_212 = tpu.vector_load %arg15[%get3A_210, %get3A_211] {strides = array<i32>} : memref<128x128xf32, #tpu.memory_space<vmem>>, vector<1x16xf32>,
        %get3A_213 = vector.shape_cast %get3A_212 : vector<1x16xf32> to vector<16xf32>
        %get3A_214 = arith.index_cast %add3A_163 : i32 to index
        %get3A_215 = arith.constant 16 : index
        %get3A_216 = tpu.vector_load %arg16[%get3A_214, %get3A_215] {strides = array<i32>} : memref<128x128xf32, #tpu.memory_space<vmem>>, vector<1x16xf32>,
        %get3A_217 = vector.shape_cast %get3A_216 : vector<1x16xf32> to vector<16xf32>
        %get3A_218 = arith.index_cast %add3A_163 : i32 to index
        %get3A_219 = arith.constant 80 : index
        %get3A_220 = tpu.vector_load %arg16[%get3A_218, %get3A_219] {strides = array<i32>} : memref<128x128xf32, #tpu.memory_space<vmem>>, vector<1x16xf32>,
        %get3A_221 = vector.shape_cast %get3A_220 : vector<1x16xf32> to vector<16xf32>
        %mul3A_222 = arith.mulf %get3A_201, %get3A_209 : vector<16xf32>
        %mul3A_223 = arith.mulf %get3A_205, %get3A_213 : vector<16xf32>
        %add3A_224 = arith.addf %mul3A_222, %mul3A_223 : vector<16xf32>
        %mul3A_225 = arith.mulf %get3A_217, %add3A_224 : vector<16xf32>
        %add3A_226 = arith.addf %add3A_197, %mul3A_225 : vector<16xf32>
        %mul3A_227 = arith.mulf %get3A_201, %get3A_213 : vector<16xf32>
        %mul3A_228 = arith.mulf %get3A_205, %get3A_209 : vector<16xf32>
        %sub3A_229 = arith.subf %mul3A_227, %mul3A_228 : vector<16xf32>
        %mul3A_230 = arith.mulf %get3A_221, %sub3A_229 : vector<16xf32>
        %add3A_231 = arith.addf %add3A_226, %mul3A_230 : vector<16xf32>
        %get3A_232 = arith.index_cast %add3A_163 : i32 to index
        %get3A_233 = arith.constant 32 : index
        %get3A_234 = tpu.vector_load %arg14[%get3A_232, %get3A_233] {strides = array<i32>} : memref<128x128xf32, #tpu.memory_space<vmem>>, vector<1x16xf32>,
        %get3A_235 = vector.shape_cast %get3A_234 : vector<1x16xf32> to vector<16xf32>
        %get3A_236 = arith.index_cast %add3A_163 : i32 to index
        %get3A_237 = arith.constant 96 : index
        %get3A_238 = tpu.vector_load %arg14[%get3A_236, %get3A_237] {strides = array<i32>} : memref<128x128xf32, #tpu.memory_space<vmem>>, vector<1x16xf32>,
        %get3A_239 = vector.shape_cast %get3A_238 : vector<1x16xf32> to vector<16xf32>
        %get3A_240 = arith.index_cast %add3A_163 : i32 to index
        %get3A_241 = arith.constant 32 : index
        %get3A_242 = tpu.vector_load %arg15[%get3A_240, %get3A_241] {strides = array<i32>} : memref<128x128xf32, #tpu.memory_space<vmem>>, vector<1x16xf32>,
        %get3A_243 = vector.shape_cast %get3A_242 : vector<1x16xf32> to vector<16xf32>
        %get3A_244 = arith.index_cast %add3A_163 : i32 to index
        %get3A_245 = arith.constant 96 : index
        %get3A_246 = tpu.vector_load %arg15[%get3A_244, %get3A_245] {strides = array<i32>} : memref<128x128xf32, #tpu.memory_space<vmem>>, vector<1x16xf32>,
        %get3A_247 = vector.shape_cast %get3A_246 : vector<1x16xf32> to vector<16xf32>
        %get3A_248 = arith.index_cast %add3A_163 : i32 to index
        %get3A_249 = arith.constant 32 : index
        %get3A_250 = tpu.vector_load %arg16[%get3A_248, %get3A_249] {strides = array<i32>} : memref<128x128xf32, #tpu.memory_space<vmem>>, vector<1x16xf32>,
        %get3A_251 = vector.shape_cast %get3A_250 : vector<1x16xf32> to vector<16xf32>
        %get3A_252 = arith.index_cast %add3A_163 : i32 to index
        %get3A_253 = arith.constant 96 : index
        %get3A_254 = tpu.vector_load %arg16[%get3A_252, %get3A_253] {strides = array<i32>} : memref<128x128xf32, #tpu.memory_space<vmem>>, vector<1x16xf32>,
        %get3A_255 = vector.shape_cast %get3A_254 : vector<1x16xf32> to vector<16xf32>
        %mul3A_256 = arith.mulf %get3A_235, %get3A_243 : vector<16xf32>
        %mul3A_257 = arith.mulf %get3A_239, %get3A_247 : vector<16xf32>
        %add3A_258 = arith.addf %mul3A_256, %mul3A_257 : vector<16xf32>
        %mul3A_259 = arith.mulf %get3A_251, %add3A_258 : vector<16xf32>
        %add3A_260 = arith.addf %add3A_231, %mul3A_259 : vector<16xf32>
        %mul3A_261 = arith.mulf %get3A_235, %get3A_247 : vector<16xf32>
        %mul3A_262 = arith.mulf %get3A_239, %get3A_243 : vector<16xf32>
        %sub3A_263 = arith.subf %mul3A_261, %mul3A_262 : vector<16xf32>
        %mul3A_264 = arith.mulf %get3A_255, %sub3A_263 : vector<16xf32>
        %add3A_265 = arith.addf %add3A_260, %mul3A_264 : vector<16xf32>
        %get3A_266 = arith.index_cast %add3A_163 : i32 to index
        %get3A_267 = arith.constant 48 : index
        %get3A_268 = tpu.vector_load %arg14[%get3A_266, %get3A_267] {strides = array<i32>} : memref<128x128xf32, #tpu.memory_space<vmem>>, vector<1x16xf32>,
        %get3A_269 = vector.shape_cast %get3A_268 : vector<1x16xf32> to vector<16xf32>
        %get3A_270 = arith.index_cast %add3A_163 : i32 to index
        %get3A_271 = arith.constant 112 : index
        %get3A_272 = tpu.vector_load %arg14[%get3A_270, %get3A_271] {strides = array<i32>} : memref<128x128xf32, #tpu.memory_space<vmem>>, vector<1x16xf32>,
        %get3A_273 = vector.shape_cast %get3A_272 : vector<1x16xf32> to vector<16xf32>
        %get3A_274 = arith.index_cast %add3A_163 : i32 to index
        %get3A_275 = arith.constant 48 : index
        %get3A_276 = tpu.vector_load %arg15[%get3A_274, %get3A_275] {strides = array<i32>} : memref<128x128xf32, #tpu.memory_space<vmem>>, vector<1x16xf32>,
        %get3A_277 = vector.shape_cast %get3A_276 : vector<1x16xf32> to vector<16xf32>
        %get3A_278 = arith.index_cast %add3A_163 : i32 to index
        %get3A_279 = arith.constant 112 : index
        %get3A_280 = tpu.vector_load %arg15[%get3A_278, %get3A_279] {strides = array<i32>} : memref<128x128xf32, #tpu.memory_space<vmem>>, vector<1x16xf32>,
        %get3A_281 = vector.shape_cast %get3A_280 : vector<1x16xf32> to vector<16xf32>
        %get3A_282 = arith.index_cast %add3A_163 : i32 to index
        %get3A_283 = arith.constant 48 : index
        %get3A_284 = tpu.vector_load %arg16[%get3A_282, %get3A_283] {strides = array<i32>} : memref<128x128xf32, #tpu.memory_space<vmem>>, vector<1x16xf32>,
        %get3A_285 = vector.shape_cast %get3A_284 : vector<1x16xf32> to vector<16xf32>
        %get3A_286 = arith.index_cast %add3A_163 : i32 to index
        %get3A_287 = arith.constant 112 : index
        %get3A_288 = tpu.vector_load %arg16[%get3A_286, %get3A_287] {strides = array<i32>} : memref<128x128xf32, #tpu.memory_space<vmem>>, vector<1x16xf32>,
        %get3A_289 = vector.shape_cast %get3A_288 : vector<1x16xf32> to vector<16xf32>
        %mul3A_290 = arith.mulf %get3A_269, %get3A_277 : vector<16xf32>
        %mul3A_291 = arith.mulf %get3A_273, %get3A_281 : vector<16xf32>
        %add3A_292 = arith.addf %mul3A_290, %mul3A_291 : vector<16xf32>
        %mul3A_293 = arith.mulf %get3A_285, %add3A_292 : vector<16xf32>
        %add3A_294 = arith.addf %add3A_265, %mul3A_293 : vector<16xf32>
        %mul3A_295 = arith.mulf %get3A_269, %get3A_281 : vector<16xf32>
        %mul3A_296 = arith.mulf %get3A_273, %get3A_277 : vector<16xf32>
        %sub3A_297 = arith.subf %mul3A_295, %mul3A_296 : vector<16xf32>
        %mul3A_298 = arith.mulf %get3A_289, %sub3A_297 : vector<16xf32>
        %add3A_299 = arith.addf %add3A_294, %mul3A_298 : vector<16xf32>
        %xor3A = arith.constant 1 : i32
        %xor3A_300 = vector.broadcast %xor3A : i32 to vector<16xi32>
        %xor3A_301 = arith.xori %iota3A, %xor3A_300 : vector<16xi32>
        %broadcast_in_dim3A_302 = vector.shape_cast %xor3A_301 : vector<16xi32> to vector<16x1xi32>
        %gather3A = vector.shape_cast %broadcast_in_dim3A_302 : vector<16x1xi32> to vector<16xi32>
        %gather3A_303 = tpu.dynamic_gather %add3A_299[%gather3A] in [0] : vector<16xf32>, vector<16xi32> -> vector<16xf32>
        %add3A_304 = arith.addf %add3A_299, %gather3A_303 : vector<16xf32>
        %xor3A_305 = arith.constant 2 : i32
        %xor3A_306 = vector.broadcast %xor3A_305 : i32 to vector<16xi32>
        %xor3A_307 = arith.xori %iota3A, %xor3A_306 : vector<16xi32>
        %broadcast_in_dim3A_308 = vector.shape_cast %xor3A_307 : vector<16xi32> to vector<16x1xi32>
        %gather3A_309 = vector.shape_cast %broadcast_in_dim3A_308 : vector<16x1xi32> to vector<16xi32>
        %gather3A_310 = tpu.dynamic_gather %add3A_304[%gather3A_309] in [0] : vector<16xf32>, vector<16xi32> -> vector<16xf32>
        %add3A_311 = arith.addf %add3A_304, %gather3A_310 : vector<16xf32>
        %xor3A_312 = arith.constant 4 : i32
        %xor3A_313 = vector.broadcast %xor3A_312 : i32 to vector<16xi32>
        %xor3A_314 = arith.xori %iota3A, %xor3A_313 : vector<16xi32>
        %broadcast_in_dim3A_315 = vector.shape_cast %xor3A_314 : vector<16xi32> to vector<16x1xi32>
        %gather3A_316 = vector.shape_cast %broadcast_in_dim3A_315 : vector<16x1xi32> to vector<16xi32>
        %gather3A_317 = tpu.dynamic_gather %add3A_311[%gather3A_316] in [0] : vector<16xf32>, vector<16xi32> -> vector<16xf32>
        %add3A_318 = arith.addf %add3A_311, %gather3A_317 : vector<16xf32>
        %xor3A_319 = arith.constant 8 : i32
        %xor3A_320 = vector.broadcast %xor3A_319 : i32 to vector<16xi32>
        %xor3A_321 = arith.xori %iota3A, %xor3A_320 : vector<16xi32>
        %broadcast_in_dim3A_322 = vector.shape_cast %xor3A_321 : vector<16xi32> to vector<16x1xi32>
        %gather3A_323 = vector.shape_cast %broadcast_in_dim3A_322 : vector<16x1xi32> to vector<16xi32>
        %gather3A_324 = tpu.dynamic_gather %add3A_318[%gather3A_323] in [0] : vector<16xf32>, vector<16xi32> -> vector<16xf32>
        %add3A_325 = arith.addf %add3A_318, %gather3A_324 : vector<16xf32>
        %eq3A = vector.broadcast %scan3A_159 : i32 to vector<16xi32>
        %eq3A_326 = arith.cmpi eq, %iota3A, %eq3A : vector<16xi32>
        %select_n3A = arith.select %eq3A_326, %add3A_325, %scan3A_160 : vector<16xi1>, vector<16xf32>
        scf.yield %select_n3A : vector<16xf32>
      }
      %scan3A_151 = arith.constant 16 : i32
      %mul3A_152 = arith.constant 16 : i32
      %mul3A_153 = arith.muli %scan3A_144, %mul3A_152 : i32
      %add3A_154 = arith.constant 384 : i32
      %add3A_155 = arith.addi %add3A_154, %mul3A_153 : i32
      %swap3A = arith.index_cast %add3A_155 : i32 to index
      %swap3A_156 = tpu.vector_load %arg17[%swap3A] {strides = array<i32>} : memref<512xf32, #tpu.memory_space<vmem>>, vector<16xf32>,
      %swap3A_157 = vector.shape_cast %swap3A_156 : vector<16xf32> to vector<16xf32>
      %swap3A_158 = vector.shape_cast %scan3A_150 : vector<16xf32> to vector<16xf32>
      tpu.vector_store %arg17[%swap3A], %swap3A_158 {strides = array<i32>} : memref<512xf32, #tpu.memory_space<vmem>>, vector<16xf32>,
    }
    %scan3A_143 = arith.constant 8 : i32
    "tpu.region"() ({
      %run_scoped3A = tpu.sem_alloc : memref<!tpu.dma_semaphore, #tpu.memory_space<semaphore_mem>>
      %dma_start3A_144 = tpu.memref_slice %arg7[%mul3A_2] : memref<16384xf32, #tpu.memory_space<hbm>> -> memref<512xf32, #tpu.memory_space<hbm>>
      %dma_start3A_145 = tpu.memref_slice %arg7[%mul3A_2] : memref<16384xf32, #tpu.memory_space<hbm>> -> memref<512xf32, #tpu.memory_space<hbm>>
      tpu.enqueue_dma source(%arg17 : memref<512xf32, #tpu.memory_space<vmem>>) target(%dma_start3A_145 : memref<512xf32, #tpu.memory_space<hbm>>) target_semaphore(%run_scoped3A : memref<!tpu.dma_semaphore, #tpu.memory_space<semaphore_mem>>)
      %dma_wait3A_146 = tpu.memref_slice %arg7[%mul3A_2] : memref<16384xf32, #tpu.memory_space<hbm>> -> memref<512xf32, #tpu.memory_space<hbm>>
      %dma_wait3A_147 = tpu.memref_slice %arg7[%mul3A_2] : memref<16384xf32, #tpu.memory_space<hbm>> -> memref<512xf32, #tpu.memory_space<hbm>>
      tpu.wait_dma2 semaphore(%run_scoped3A : memref<!tpu.dma_semaphore, #tpu.memory_space<semaphore_mem>>) src(%arg17 : memref<512xf32, #tpu.memory_space<vmem>>) dst(%dma_wait3A_147 : memref<512xf32, #tpu.memory_space<hbm>>)
      tpu.yield
    }) : () -> ()
    return
  }
}

</mosaic_0001>

<sc_bundles>
// kernel: _compl_ex_sc.3.cloned.1.call-start
scs
__scs_entry_jumppad:
0x0: {  	(pc) =	sbr.rel $0x88, $3  }
0x1: {  	(tag) =	ssettag $0x0;
	lr =	simm.s32 $0x1  }
0x2: {  	[smem:$0x3F9C] =	sst lr;
	_ =	strace $0xD0000000  }
0x3: {  	_ = 	snop  }
0x4: {  	_ = 	snop  }
0x5: {  	_ = 	snop  }
0x6: {  	_ = 	snop  }
0x7: {  	_ = 	snop  }
__scs_overlays_trampoline_lowered:
0x8: {  	[smem:$0x3FAB] =	sst s0  }
0x9: {  	[smem:$0x3FAC] =	sst s1  }
0xa: {  	[smem:$0x3FAD] =	sst s2  }
0xb: {  	[smem:$0x3FAE] =	sst s3  }
0xc: {  	[smem:$0x3FAF] =	sst s4  }
0xd: {  	[smem:$0x3FB0] =	sst s5  }
0xe: {  	[smem:$0x3FB1] =	sst s6  }
0xf: {  	[smem:$0x3FB2] =	sst s7  }
0x10: {  	[smem:$0x3FB3] =	sst s8  }
0x11: {  	[smem:$0x3FB4] =	sst s9;
	s0 =	simm.s32 @!p0 $0x0  }
0x12: {  	s1 =	sld [smem:$0x3F9A];
	s0 =	simm.s32 @p0 $0x1  }
0x13: {  	[smem:$0x3FB5] =	sst s0;
	s0 =	simm.s32 @!p1 $0x0  }
0x14: {  	s2 =	sld [smem:$0x3F99];
	s0 =	simm.s32 @p1 $0x1  }
0x15: {  	[smem:$0x3FB6] =	sst s0;
	s0 =	simm.s32 @!p2 $0x0  }
0x16: {  	s3 =	sld [smem:$0x3FDB];
	s0 =	simm.s32 @p2 $0x1  }
0x17: {  	s4 =	simm.s32 $0x1BF5;
	[smem:$0x3FB8] =	sst s0  }
0x18: {  	s0 =	sld [smem:$0x3F9B];
	_ =	swait.ge [sflag:s4], $0x0  }
0x19: {  	s7 =	sld [smem:$0x3F9C]  }
0x1a: {  	s8 =	sadd.s32 $0xFFFFE003, lr  }
0x1b: {  	s9 =	sadd.s32 $0xFFFFFEF7, lr;
	s5 =	simm.s32 $0xFFFFFFFF;
	p2 =	slt.u32 s8, $0xFFFFF086  }
0x1c: {  	p1 =	slt.u32 s9, $0xF7A;
	s5 =	simm.s32 @!p2 $0x0  }
0x1d: {  	s5 =	simm.s32 @p1 $0x1;
	p0 =	seq.s32 s7, s2  }
0x1e: {  	s7 =	smul.u32 @!p0 $0xF7A, s2;
	p2 =	seq.s32 @!p0 s5, $0x0  }
0x1f: {  	s9 =	smul.u32 $0xF7A, s1;
	s8 =	simm.s32 @!p0 $0x1BF5;
	p2 =	por !p2, p0  }
0x20: {  	[sflag:s8] =	ssyncset.s32 @!p0 $0xFFFFF086;
	s6 =	sadd.s32 @!p0 s3, s7;
	s7 =	simm.s32 @!p0 $0x108  }
0x21: {  	s3 =	sadd.s32 s3, s9;
	s6 =	sadd.s32 @!p0 $0x88, s6;
	s7 =	simm.s32 @p2 $0x1082  }
0x22: {  	[simem:s7], [sflag:s8] =	dma.local @!p0 [hbm:s6], $0xF7A  }
0x23: {  	s9 =	sor.u32 $0xD0000000, s2;
	s6 =	simm.s32 $0x108;
	_ =	swait.ge @!p0 [sflag:s8], $0x0  }
0x24: {  	s3 =	sadd.s32 $0x88, s3;
	s6 =	simm.s32 @!p1 $0x1082;
	[sflag:s4] =	ssyncset.s32 $0xFFFFF086  }
0x25: {  	[simem:s6], [sflag:s4] =	dma.local [hbm:s3], $0xF7A  }
0x26: {  	[smem:$0x3F9C] =	sst s1;
	(tag) =	ssettag s2;
	_ =	strace s9  }
0x27: {  	s1 =	sld [smem:$0x3FAC]  }
0x28: {  	s2 =	sld [smem:$0x3FAD]  }
0x29: {  	s4 =	sld [smem:$0x3FAF]  }
0x2a: {  	p0 =	seq.s32 s5, $0x0;
	s5 =	sld [smem:$0x3FB0]  }
0x2b: {  	s6 =	sld [smem:$0x3FB1]  }
0x2c: {  	s7 =	sld [smem:$0x3FB2]  }
0x2d: {  	s3 =	simm.s32 $0x108;
	s8 =	sld [smem:$0x3FB3]  }
0x2e: {  	s3 =	simm.s32 @!p0 $0x1082;
	s9 =	sld [smem:$0x3FB4]  }
0x2f: {  	lr =	sadd.s32 s0, s3;
	s0 =	sld [smem:$0x3FAB]  }
0x30: {  	s3 =	sld [smem:$0x3FAE]  }
0x31: {  	[smem:$0x3FB7] =	sst s10  }
0x32: {  	s10 =	sld [smem:$0x3FB5];
	_ =	sdelay $0x3  }
0x33: {  	p0 =	seq.s32 s10, $0x1;
	s10 =	sld [smem:$0x3FB7];
	_ =	sdelay $0x3  }
0x34: {  	[smem:$0x3FB7] =	sst s10  }
0x35: {  	s10 =	sld [smem:$0x3FB6];
	_ =	sdelay $0x3  }
0x36: {  	p1 =	seq.s32 s10, $0x1;
	s10 =	sld [smem:$0x3FB7];
	_ =	sdelay $0x3  }
0x37: {  	[smem:$0x3FB7] =	sst s10  }
0x38: {  	s10 =	sld [smem:$0x3FB8]  }
0x39: {  	_ = 	snop;
	(pc) =	sbr.ind lr, $3  }
0x3a: {  	_ = 	snop  }
0x3b: {  	_ = 	snop  }
0x3c: {  	p2 =	seq.s32 s10, $0x1;
	s10 =	sld [smem:$0x3FB7]  }
0x3d: {  	_ =	shalt  }
0x3e: {  	_ =	shalt  }
0x3f: {  	_ =	shalt  }
0x40: {  	_ =	shalt  }
0x41: {  	_ =	shalt  }
0x42: {  	_ =	shalt  }
0x43: {  	_ =	shalt  }
0x44: {  	_ =	shalt  }
0x45: {  	_ =	shalt  }
0x46: {  	_ =	shalt  }
0x47: {  	_ =	shalt  }
0x48: {  	_ =	shalt  }
0x49: {  	_ =	shalt  }
0x4a: {  	_ =	shalt  }
0x4b: {  	_ =	shalt  }
0x4c: {  	_ =	shalt  }
0x4d: {  	_ =	shalt  }
0x4e: {  	_ =	shalt  }
0x4f: {  	_ =	shalt  }
0x50: {  	_ =	shalt  }
0x51: {  	_ =	shalt  }
0x52: {  	_ =	shalt  }
0x53: {  	_ =	shalt  }
0x54: {  	_ =	shalt  }
0x55: {  	_ =	shalt  }
0x56: {  	_ =	shalt  }
0x57: {  	_ =	shalt  }
0x58: {  	_ =	shalt  }
0x59: {  	_ =	shalt  }
0x5a: {  	_ =	shalt  }
0x5b: {  	_ =	shalt  }
0x5c: {  	_ =	shalt  }
0x5d: {  	_ =	shalt  }
0x5e: {  	_ =	shalt  }
0x5f: {  	_ =	shalt  }
0x60: {  	_ =	shalt  }
0x61: {  	_ =	shalt  }
0x62: {  	_ =	shalt  }
0x63: {  	_ =	shalt  }
0x64: {  	_ =	shalt  }
0x65: {  	_ =	shalt  }
0x66: {  	_ =	shalt  }
0x67: {  	_ =	shalt  }
0x68: {  	_ =	shalt  }
0x69: {  	_ =	shalt  }
0x6a: {  	_ =	shalt  }
0x6b: {  	_ =	shalt  }
0x6c: {  	_ =	shalt  }
0x6d: {  	_ =	shalt  }
0x6e: {  	_ =	shalt  }
0x6f: {  	_ =	shalt  }
0x70: {  	_ =	shalt  }
0x71: {  	_ =	shalt  }
0x72: {  	_ =	shalt  }
0x73: {  	_ =	shalt  }
0x74: {  	_ =	shalt  }
0x75: {  	_ =	shalt  }
0x76: {  	_ =	shalt  }
0x77: {  	_ =	shalt  }
0x78: {  	_ =	shalt  }
0x79: {  	_ =	shalt  }
0x7a: {  	_ =	shalt  }
0x7b: {  	_ =	shalt  }
0x7c: {  	_ =	shalt  }
0x7d: {  	_ =	shalt  }
0x7e: {  	_ =	shalt  }
0x7f: {  	_ =	shalt  }
0x80: {  	_ =	shalt  }
0x81: {  	_ =	shalt  }
0x82: {  	_ =	shalt  }
0x83: {  	_ =	shalt  }
0x84: {  	_ =	shalt  }
0x85: {  	_ =	shalt  }
0x86: {  	_ =	shalt  }
0x87: {  	_ =	shalt  }
.Lfunc_end0:
.L_simem_size_0:
called_computation_lowered:
.L_overlay_start_0:
0x88: {  	s2 =	sld [smem:$0x3FD9]  }
0x89: {  	s3 =	sld [smem:$0x3FFE];
	_ =	sdelay $0x1  }
0x8a: {  	s1 =	srdreg.scid  }
0x8b: {  	s0 =	sand.u32 $0x1, s1  }
0x8c: {  	s18 =	sshll.u32 s0, $0xA;
	s2 =	sadd.s32 s3, s2  }
0x8d: {  	s2 =	sadd.s32 s2, s18  }
0x8e: {  	[smem:$0x3FC3] =	sst s2  }
0x8f: {  	_ = 	snop  }
0x90: {  	s2 =	sld [smem:$0x3FC9]  }
0x91: {  	s19 =	sld [smem:$0x3FC8]  }
0x92: {  	s4 =	sld [smem:$0x3FC7]  }
0x93: {  	s5 =	sld [smem:$0x3FC6]  }
0x94: {  	s6 =	sld [smem:$0x3FC5]  }
0x95: {  	s7 =	sld [smem:$0x3FD0];
	(tm) =	ssettm $0x1  }
0x96: {  	s8 =	sld [smem:$0x3FFB];
	_ =	sdelay $0x3  }
0x97: {  	_ =	strace s8  }
0x98: {  	s8 =	sld [smem:$0x3FFC];
	_ =	sdelay $0x3  }
0x99: {  	_ =	strace s8  }
0x9a: {  	s8 =	sld [smem:$0x3FFD];
	_ =	sdelay $0x3  }
0x9b: {  	_ =	strace s8  }
0x9c: {  	_ =	strace $0x8FFFFFFF  }
0x9d: {  	s20 =	sld [smem:$0x3FDB];
	_ =	sdelay $0x1  }
0x9e: {  	s9 =	simm.s32 $_scs_section_size  }
0x9f: {  	s10 =	simm.s32 $_size__tile_overlayer_lowered;
	s11 =	simm.s32 $_tile_overlayer_lowered  }
0xa0: {  	s23 =	simm.s32 $0x1BFF;
	s22 =	sshll.u32 s11, $0x1;
	s8 =	sadd.s32 s9, s20  }
0xa1: {  	s12 =	simm.s32 $0x0;
	s21 =	sshll.u32 s10, $0x1;
	s10 =	sadd.s32 s22, s8  }
0xa2: {  	[timem:s12], [sflag:s23] =	dma.local [hbm:s10], s21  }
0xa3: {  	_ =	swait.ge [sflag:s23], s21  }
0xa4: {  	s9 =	ssub.s32 $0x0, s21;
	[sflag:s23] =	ssyncset.done $0x0  }
0xa5: {  	[sflag:s23] =	ssyncadd.s32 s9;
	_ =	sdelay $0x1  }
0xa6: {  	s24 =	simm.s32 $0x1B8B  }
0xa7: {  	_ =	swait.ge [sflag:s24], $0x1  }
0xa8: {  	[sflag:s24] =	ssyncset.done $0x0  }
0xa9: {  	s25 =	simm.s32 $0x1B8E;
	[sflag:s24] =	ssyncadd.s32 $0xFFFFFFFF  }
0xaa: {  	s26 =	simm.s32 $execute0_lowered;
	[smem:$0x3FD2] =	sst s25  }
0xab: {  	s9 =	sshll.u32 s26, $0x1;
	_ =	strace $0x80000046;
	[dreg:$0x1] =	wrdreg $0xFFFFFFFF  }
0xac: {  	s28 =	simm.s32 $_size_execute0_lowered;
	s8 =	sadd.s32 s8, s9;
	[dreg:$0x0] =	wrdreg $0x0  }
0xad: {  	s9 =	sshll.u32 s28, $0x1;
	[dreg:$0x2] =	wrdreg s8  }
0xae: {  	[dreg:$0x3] =	wrdreg s9  }
0xaf: {  	[dreg:$0x4] =	wrdreg $0xC0  }
0xb0: {  	_ =	task [dreg:s12], $0x5FFFF  }
0xb1: {  	[dreg:$0x1] =	wrdreg $0xFFFFFFFF  }
0xb2: {  	[dreg:$0x0] =	wrdreg $0x60  }
0xb3: {  	[dreg:$0x2] =	wrdreg s2  }
0xb4: {  	[dreg:$0x3] =	wrdreg s19  }
0xb5: {  	[dreg:$0x4] =	wrdreg s4  }
0xb6: {  	[dreg:$0x5] =	wrdreg s5  }
0xb7: {  	[dreg:$0x6] =	wrdreg s6  }
0xb8: {  	[dreg:$0x7] =	wrdreg s7  }
0xb9: {  	[dreg:$0x8] =	wrdreg $0x9  }
0xba: {  	_ =	task.clear_ibuf [dreg:s12], $0x9FFFF;
	_ =	strace $0x90000046  }
0xbb: {  	s29 =	simm.s32 $0x9;
	_ =	strace $0x80000048  }
0xbc: {  	_ =	swait.ge [sflag:s29], $0x1  }
0xbd: {  	[sflag:s29] =	ssyncadd.s32 $0xFFFFFFFF  }
0xbe: {  	_ =	strace $0x90000048  }
0xbf: {  	_ =	sfence  }
0xc0: {  	s30 =	sld [smem:$0x0];
	_ =	sdelay $0x2  }
0xc1: {  	s31 =	sshll.u32 s1, $0xD;
	s1 =	sshrl.u32 s1, $0x2  }
0xc2: {  	s3 =	sand.u32 $0x4000, s31;
	s1 =	sadd.s32 s1, s30  }
0xc3: {  	s0 =	sor.u32 s3, s0;
	s1 =	sshll.u32 s1, $0x11  }
0xc4: {  	s0 =	sor.u32 s1, s0  }
0xc5: {  	s0 =	sadd.s32 $0x8F2B, s0  }
0xc6: {  	[sflag:s0] =	ssyncadd.remote.s32 $0x1  }
0xc7: {  	_ =	sfence.sel $0xFFFF  }
0xc8: {  	[dreg:$0x0] =	wrdreg $0xFFFFFFFF;
	(pc) =	sbr.abs _section_cstart, $3  }
0xc9: {  	[dreg:$0x1] =	wrdreg $0xFFFFFFFF  }
0xca: {  	_ =	task.clear_ibuf [dreg:s12], $0x2FFFF;
	_ =	strace $0x9FFFFFFF  }
0xcb: {  	(tm) =	ssettm $0x7FFFFFFF  }
tec
execute0_lowered:
.L_overlay_start_1:
0x0: {  	(tag) =	ssettag $0x1  }
0x1: {  	s0 =	rddreg [dreg:$0x0]  }
0x2: {  	s3 =	rddreg [dreg:$0x1]  }
0x3: {  	s7 =	rddreg [dreg:$0x2]  }
0x4: {  	s1 =	rddreg [dreg:$0x3]  }
0x5: {  	s2 =	rddreg [dreg:$0x4]  }
0x6: {  	s8 =	rddreg [dreg:$0x5];
	v0 =	vimm.s32 $0xEFCDAB89  }
0x7: {  	s5 =	srdreg.scid;
	s4 =	simm.s32 $0x0;
	s10 =	stileid.u32;
	v1 =	vimm.s32 $0x67452301;
	v2 =	vimm.s32 $0xDCFE98BA;
	v3 =	vimm.s32 $0x54761032  }
0x8: {  	s11 =	simm.s32 $0x3;
	s12 =	simm.s32 $0x400;
	s13 =	simm.s32 $0x600;
	v4 =	vimm.s32 $0xBA98FEDC;
	v5 =	vimm.s32 $0xFEDCBA98  }
0x9: {  	s14 =	simm.s32 $0x80;
	s15 =	simm.s32 $0x4600;
	s16 =	simm.s32 $0x8600;
	v6 =	vimm.s32 $0x32107654;
	v7 =	vimm.s32 $0x76543210;
	v0 =	vunpack.c.l.s4.s8 v0  }
0xa: {  	s17 =	simm.s32 $0x1;
	s18 =	simm.s32 $0xC600;
	s20 =	simm.s32 $0x10600;
	v1 =	vunpack.c.l.s4.s8 v1;
	v2 =	vunpack.c.l.s4.s8 v2;
	v3 =	vunpack.c.l.s4.s8 v3  }
0xb: {  	s22 =	simm.s32 $0x14600;
	s23 =	simm.s32 $0x2;
	s5 =	sand.u32 $0x1, s5;
	v5 =	vunpack.c.l.s4.s8 v5;
	v4 =	vunpack.c.l.s4.s8 v4;
	v6 =	vunpack.c.l.s4.s8 v6  }
0xc: {  	s10 =	sshll.u32 s10, $0x7;
	v7 =	vunpack.c.l.s4.s8 v7;
	s6 =	ssub.s32 $0x2, s5;
	s5 =	sshll.u32 s5, $0x6;
	v0 =	vunpack.c.0.s8.s32 v0;
	v1 =	vunpack.c.0.s8.s32 v1  }
0xd: {  	[smem:$0x7FF] =	sst s4;
	s9 =	sshrl.u32 s6, $0x1;
	s10 =	sor.u32 s5, s10;
	v2 =	vunpack.c.0.s8.s32 v2;
	v3 =	vunpack.c.0.s8.s32 v3;
	v5 =	vunpack.c.0.s8.s32 v5  }
0xe: {  	_ =	strace $0x80000047;
	v4 =	vunpack.c.0.s8.s32 v4;
	v6 =	vunpack.c.0.s8.s32 v6;
	v7 =	vunpack.c.0.s8.s32 v7;
	s9 =	ssub.s32 s6, s9;
	s5 =	sadd.s32 s0, s10  }
0xf: {  	s6 =	sadd.s32 s3, s10;
	s7 =	sadd.s32 s7, s10;
	s8 =	sadd.s32 s8, s10;
	v0 =	vcombine.low v1, v0;
	v1 =	vcombine.low v3, v2;
	v3 =	vand.u32 $0xF, v5  }
0x10: {  	s10 =	simm.s32 $0x200;
	s0 =	simm.s32 $0x0;
	s9 =	smax.u32 s9, $0x1;
	v2 =	vcombine.low v6, v4;
	v4 =	vlaneseq.u32;
	v3 =	vcombine.low v3, v7  }
.LBB2_1:
0x11: {  	[tilespmem:s4], [sflag:$0x3] =	stream.linear.gather [hbm4b:s5+s4], $0x200, $0x38;
	[tilespmem:$0x18800] =	vst v63  }
0x12: {  	_ =	swait.ge [sflag:s11], $0x200  }
0x13: {  	[sflag:s11] =	ssyncset.done $0x0  }
0x14: {  	[sflag:s11] =	ssyncadd.s32 $0xFFFFFE00  }
0x15: {  	[tilespmem:s10], [sflag:$0x3] =	stream.linear.gather [hbm4b:s6+s4], $0x200, $0x38;
	[tilespmem:$0x18800] =	vst v63  }
0x16: {  	_ =	swait.ge [sflag:s11], $0x200  }
0x17: {  	[sflag:s11] =	ssyncset.done $0x0  }
0x18: {  	[sflag:s11] =	ssyncadd.s32 $0xFFFFFE00  }
0x19: {  	[tilespmem:s12], [sflag:$0x3] =	stream.linear.gather [hbm4b:s7+s4], $0x200, $0x38;
	[tilespmem:$0x18800] =	vst v63  }
0x1a: {  	_ =	swait.ge [sflag:s11], $0x200  }
0x1b: {  	[sflag:s11] =	ssyncset.done $0x0  }
0x1c: {  	[sflag:s11] =	ssyncadd.s32 $0xFFFFFE00  }
0x1d: {  	[tilespmem:s13], [sflag:$0x1] =	stream.indirect.gather [hbm4b:s1+s14], $0x80, s4, s14, $0xb8;
	[tilespmem:$0x18800] =	vst v63  }
0x1e: {  	_ = 	snop  }
0x1f: {  	[tilespmem:s15], [sflag:$0x1] =	stream.indirect.gather [hbm4b:s1+s14], $0x80, s12, s14, $0xb8;
	[tilespmem:$0x18800] =	vst v63  }
0x20: {  	_ = 	snop  }
0x21: {  	[tilespmem:s16], [sflag:$0x1] =	stream.indirect.gather [hbm4b:s2+s14], $0x80, s10, s14, $0xb8;
	[tilespmem:$0x18800] =	vst v63  }
0x22: {  	_ =	swait.ge [sflag:s17], $0x4000  }
0x23: {  	[sflag:s17] =	ssyncset.done $0x0  }
0x24: {  	[sflag:s17] =	ssyncadd.s32 $0xFFFFC000  }
0x25: {  	_ =	swait.ge [sflag:s17], $0x4000  }
0x26: {  	[sflag:s17] =	ssyncset.done $0x0  }
0x27: {  	[sflag:s17] =	ssyncadd.s32 $0xFFFFC000  }
0x28: {  	_ =	swait.ge [sflag:s17], $0x4000  }
0x29: {  	[sflag:s17] =	ssyncset.done $0x0  }
0x2a: {  	[sflag:s17] =	ssyncadd.s32 $0xFFFFC000  }
0x2b: {  	[tilespmem:s18], [sflag:$0x2] =	stream.indirect.gather [hbm4b:s1+s14], $0x80, s14, s14, $0xb8;
	[tilespmem:$0x18800] =	vst v63  }
0x2c: {  	s3 =	simm.s32 $0x480;
	s31 =	simm.s32 $0x280;
	s19 =	simm.s32 $0x4640  }
0x2d: {  	[tilespmem:s20], [sflag:$0x2] =	stream.indirect.gather [hbm4b:s1+s14], $0x80, s3, s14, $0xb8;
	[tilespmem:$0x18800] =	vst v63  }
0x2e: {  	s21 =	simm.s32 $0x8640;
	s24 =	simm.s32 $0x0;
	s3 =	simm.s32 $0x640  }
0x2f: {  	[tilespmem:s22], [sflag:$0x2] =	stream.indirect.gather [hbm4b:s2+s14], $0x80, s31, s14, $0xb8;
	[tilespmem:$0x18800] =	vst v63  }
.LBB2_2:
0x30: {  	v5 =	vld [tilespmem:s3+$0xFFFFFFF0]  }
0x31: {  	v10 =	vld [tilespmem:s3+$0x30]  }
0x32: {  	v6 =	vld [tilespmem:s3+$0xFFFFFFE0]  }
0x33: {  	v7 =	vld [tilespmem:s3+$0x20]  }
0x34: {  	v8 =	vld [tilespmem:s3+$0xFFFFFFD0]  }
0x35: {  	v9 =	vld [tilespmem:s3+$0xFFFFFFC0]  }
0x36: {  	v11 =	vld [tilespmem:s3+$0x0]  }
0x37: {  	v12 =	vld [tilespmem:s19+$0xFFFFFFC0]  }
0x38: {  	v13 =	vld [tilespmem:s19+$0x0]  }
0x39: {  	v14 =	vld [tilespmem:s3+$0x10]  }
0x3a: {  	v15 =	vld [tilespmem:s19+$0xFFFFFFD0]  }
0x3b: {  	v16 =	vld [tilespmem:s19+$0x10]  }
0x3c: {  	v17 =	vld [tilespmem:s21+$0xFFFFFFC0]  }
0x3d: {  	v18 =	vld [tilespmem:s19+$0xFFFFFFE0];
	v19 =	vmul.f32 v12, v9;
	v20 =	vmul.f32 v13, v11  }
0x3e: {  	v21 =	vld [tilespmem:s21+$0x0]  }
0x3f: {  	v22 =	vld [tilespmem:s19+$0x20];
	v9 =	vmul.f32 v13, v9;
	v11 =	vmul.f32 v12, v11;
	v13 =	vadd.f32 v20, v19  }
0x40: {  	v12 =	vld [tilespmem:s21+$0xFFFFFFD0];
	v61 =	vmul.f32 v16, v14  }
0x41: {  	v23 =	vld [tilespmem:s19+$0xFFFFFFF0];
	v19 =	vmul.f32 v15, v8;
	v9 =	vsub.f32 v9, v11;
	v13 =	vmul.f32 v13, v17  }
0x42: {  	v14 =	vmul.f32 v15, v14;
	v11 =	vld [tilespmem:s21+$0x10];
	v8 =	vmul.f32 v16, v8  }
0x43: {  	v16 =	vld [tilespmem:s19+$0x30];
	v17 =	vadd.f32 v61, v19;
	v9 =	vmul.f32 v9, v21;
	v13 =	vadd.f32 $0.0e+00, v13  }
0x44: {  	v62 =	vmul.f32 v22, v7;
	v15 =	vld [tilespmem:s21+$0xFFFFFFE0];
	v19 =	vmul.f32 v18, v6  }
0x45: {  	v63 =	vld [tilespmem:s21+$0x30];
	v8 =	vsub.f32 v8, v14;
	v12 =	vmul.f32 v17, v12;
	v9 =	vadd.f32 v13, v9  }
0x46: {  	s29 =	sadd.s32 $0x80, s3;
	v18 =	vmul.f32 v18, v7;
	v14 =	vadd.f32 v62, v19;
	v13 =	vld [tilespmem:s21+$0x20]  }
0x47: {  	v7 =	vld [tilespmem:s29+$0x30];
	v17 =	vmul.f32 v22, v6;
	v8 =	vmul.f32 v8, v11;
	v9 =	vadd.f32 v12, v9  }
0x48: {  	v19 =	vld [tilespmem:s21+$0xFFFFFFF0];
	v11 =	vmul.f32 v23, v5;
	v12 =	vmul.f32 v16, v10  }
0x49: {  	v6 =	vld [tilespmem:s29+$0xFFFFFFF0];
	v17 =	vsub.f32 v17, v18;
	v14 =	vmul.f32 v14, v15;
	v18 =	vadd.f32 v9, v8  }
0x4a: {  	v5 =	vmul.f32 v16, v5;
	v8 =	vld [tilespmem:s29+$0xFFFFFFE0];
	v11 =	vadd.f32 v12, v11  }
0x4b: {  	v9 =	vld [tilespmem:s29+$0x20];
	v12 =	vmul.f32 v23, v10;
	v15 =	vmul.f32 v17, v13;
	v14 =	vadd.f32 v14, v18  }
0x4c: {  	v10 =	vld [tilespmem:s29+$0xFFFFFFD0]  }
0x4d: {  	v13 =	vld [tilespmem:s29+$0xFFFFFFC0];
	v11 =	vmul.f32 v11, v19;
	v12 =	vsub.f32 v5, v12;
	v16 =	vadd.f32 v14, v15  }
0x4e: {  	s28 =	sadd.s32 $0x80, s19;
	v14 =	vld [tilespmem:s29+$0x0]  }
0x4f: {  	s26 =	simm.s32 $0x0;
	v15 =	vld [tilespmem:s28+$0xFFFFFFC0];
	v12 =	vmul.f32 v12, v63;
	v11 =	vadd.f32 v11, v16  }
0x50: {  	s25 =	simm.s32 $0x1;
	s31 =	simm.s32 $0x2;
	s30 =	smov.u32 s21;
	v5 =	vimm.f32 $0.0e+00;
	v16 =	vld [tilespmem:s28+$0x0]  }
.LBB2_3:
0x51: {  	p0 =	sne.s32 s31, $0xF;
	v17 =	vld [tilespmem:s29+$0x10];
	v11 =	vadd.f32 v11, v12  }
0x52: {  	v12 =	vld [tilespmem:s28+$0xFFFFFFD0]  }
0x53: {  	s30 =	sadd.s32 $0x80, s30;
	v18 =	vld [tilespmem:s28+$0x10];
	v19 =	vperm.xlane v11, v0  }
0x54: {  	v20 =	vld [tilespmem:s30+$0xFFFFFFC0]  }
0x55: {  	v21 =	vmul.f32 v15, v13;
	v22 =	vmul.f32 v16, v14;
	v23 =	vld [tilespmem:s28+$0xFFFFFFE0];
	v11 =	vadd.f32 v11, v19  }
0x56: {  	v13 =	vmul.f32 v16, v13;
	v16 =	vmov s26;
	s26 =	smov.u32 s25;
	s25 =	smov.u32 s31;
	v19 =	vld [tilespmem:s30+$0x0]  }
0x57: {  	v14 =	vmul.f32 v15, v14;
	v21 =	vadd.f32 v22, v21;
	v15 =	vld [tilespmem:s28+$0x20];
	v22 =	vperm.xlane v11, v1  }
0x58: {  	vm0 =	veq.s32 v16, v4;
	v25 =	vmul.f32 v12, v10;
	v24 =	vld [tilespmem:s30+$0xFFFFFFD0];
	v26 =	vmul.f32 v18, v17  }
0x59: {  	v13 =	vsub.f32 v13, v14;
	v16 =	vmul.f32 v21, v20;
	v14 =	vld [tilespmem:s28+$0xFFFFFFF0];
	v11 =	vadd.f32 v11, v22  }
0x5a: {  	v12 =	vmul.f32 v12, v17;
	v10 =	vmul.f32 v18, v10;
	v20 =	vld [tilespmem:s30+$0x10];
	v21 =	vadd.f32 v26, v25  }
0x5b: {  	v16 =	vadd.f32 $0.0e+00, v16;
	v13 =	vmul.f32 v13, v19;
	v17 =	vld [tilespmem:s28+$0x30];
	v18 =	vperm.xlane v11, v2  }
0x5c: {  	v10 =	vsub.f32 v10, v12;
	v19 =	vmul.f32 v23, v8;
	v12 =	vld [tilespmem:s30+$0xFFFFFFE0];
	v22 =	vmul.f32 v15, v9  }
0x5d: {  	v13 =	vadd.f32 v16, v13;
	v16 =	vmul.f32 v21, v24;
	v21 =	vld [tilespmem:s30+$0x30];
	v11 =	vadd.f32 v11, v18  }
0x5e: {  	v8 =	vmul.f32 v15, v8;
	v9 =	vmul.f32 v23, v9;
	v18 =	vld [tilespmem:s30+$0x20];
	v19 =	vadd.f32 v22, v19  }
0x5f: {  	s29 =	sadd.s32 $0x80, s29;
	v13 =	vadd.f32 v16, v13;
	v10 =	vmul.f32 v10, v20;
	v15 =	vld [tilespmem:s30+$0xFFFFFFF0];
	v16 =	vperm.xlane v11, v3  }
0x60: {  	v22 =	vsub.f32 v8, v9;
	v9 =	vmul.f32 v14, v6;
	v20 =	vld [tilespmem:s29+$0xFFFFFFF0];
	v23 =	vmul.f32 v17, v7  }
0x61: {  	v24 =	vld [tilespmem:s29+$0x30];
	v10 =	vadd.f32 v13, v10;
	v12 =	vmul.f32 v19, v12;
	v11 =	vadd.f32 v11, v16  }
0x62: {  	v17 =	vmul.f32 v17, v6;
	v7 =	vmul.f32 v14, v7;
	v8 =	vld [tilespmem:s29+$0xFFFFFFE0];
	v16 =	vadd.f32 v23, v9  }
0x63: {  	v9 =	vld [tilespmem:s29+$0x20];
	v12 =	vadd.f32 v12, v10;
	v14 =	vmul.f32 v22, v18;
	v5 =	vsel vm0, v11, v5  }
.Ltmp0:
0x64: {  	v10 =	vld [tilespmem:s29+$0xFFFFFFD0];
	(pc) =	sbr.rel @p0 .LBB2_3-.Ltmp0, $4  }
0x65: {  	v13 =	vld [tilespmem:s29+$0xFFFFFFC0];
	v11 =	vadd.f32 v12, v14;
	v12 =	vmul.f32 v16, v15;
	v16 =	vsub.f32 v17, v7;
	v6 =	vmovc v20  }
0x66: {  	s28 =	sadd.s32 $0x80, s28;
	v14 =	vld [tilespmem:s29+$0x0];
	v7 =	vmov v24  }
0x67: {  	v15 =	vld [tilespmem:s28+$0xFFFFFFC0];
	v11 =	vadd.f32 v12, v11;
	v12 =	vmul.f32 v16, v21  }
0x68: {  	s31 =	sadd.s32 $0x1, s31;
	v16 =	vld [tilespmem:s28+$0x0]  }
0x69: {  	v17 =	vld [tilespmem:s29+$0x10]  }
0x6a: {  	v18 =	vld [tilespmem:s28+$0xFFFFFFD0]  }
0x6b: {  	v19 =	vld [tilespmem:s28+$0x10];
	s30 =	sadd.s32 $0x80, s30  }
0x6c: {  	v20 =	vld [tilespmem:s30+$0xFFFFFFC0]  }
0x6d: {  	v23 =	vld [tilespmem:s28+$0xFFFFFFE0];
	v21 =	vmul.f32 v15, v13;
	v22 =	vmul.f32 v16, v14  }
0x6e: {  	v24 =	vld [tilespmem:s30+$0x0]  }
0x6f: {  	v38 =	vld [tilespmem:s28+$0x20];
	v37 =	vmul.f32 v15, v14;
	v35 =	vmul.f32 v16, v13;
	v36 =	vadd.f32 v22, v21  }
0x70: {  	v39 =	vld [tilespmem:s30+$0xFFFFFFD0];
	v40 =	vmul.f32 v18, v10  }
0x71: {  	v41 =	vld [tilespmem:s28+$0xFFFFFFF0];
	v25 =	vmul.f32 v19, v17;
	v13 =	vsub.f32 v35, v37;
	v16 =	vmul.f32 v36, v20  }
0x72: {  	v42 =	vld [tilespmem:s30+$0x10];
	v43 =	vmul.f32 v19, v10;
	v17 =	vmul.f32 v18, v17  }
0x73: {  	v44 =	vld [tilespmem:s28+$0x30];
	v22 =	vadd.f32 v25, v40;
	v13 =	vmul.f32 v13, v24;
	v16 =	vadd.f32 $0.0e+00, v16  }
0x74: {  	v45 =	vld [tilespmem:s30+$0xFFFFFFE0];
	v46 =	vmul.f32 v23, v8;
	v47 =	vmul.f32 v38, v9  }
0x75: {  	v10 =	vsub.f32 v43, v17;
	v48 =	vmul.f32 v22, v39;
	v13 =	vadd.f32 v16, v13  }
0x76: {  	v49 =	vld [tilespmem:s30+$0x20];
	v51 =	vmul.f32 v38, v8;
	v52 =	vmul.f32 v23, v9  }
0x77: {  	v50 =	vadd.f32 v47, v46;
	v10 =	vmul.f32 v10, v42;
	v13 =	vadd.f32 v48, v13  }
0x78: {  	v53 =	vld [tilespmem:s30+$0xFFFFFFF0];
	v54 =	vmul.f32 v41, v6;
	v55 =	vmul.f32 v44, v7  }
0x79: {  	v8 =	vsub.f32 v51, v52;
	v57 =	vmul.f32 v50, v45;
	v56 =	vadd.f32 v13, v10  }
0x7a: {  	v58 =	vld [tilespmem:s30+$0x30];
	v6 =	vmul.f32 v44, v6;
	v7 =	vmul.f32 v41, v7  }
0x7b: {  	v8 =	vmul.f32 v8, v49;
	v16 =	vadd.f32 v55, v54;
	v9 =	vadd.f32 v57, v56;
	_ =	sdelay $0x1  }
0x7c: {  	v6 =	vsub.f32 v6, v7;
	v59 =	vmul.f32 v16, v53;
	v8 =	vadd.f32 v9, v8;
	_ =	sdelay $0x1  }
0x7d: {  	v6 =	vmul.f32 v6, v58;
	v7 =	vadd.f32 v59, v8  }
0x7e: {  	v60 =	vadd.f32 v11, v12  }
0x7f: {  	v6 =	vadd.f32 v7, v6  }
0x80: {  	v7 =	vperm.xlane v60, v0  }
0x81: {  	v61 =	vperm.xlane v6, v0  }
0x82: {  	v7 =	vadd.f32 v60, v7  }
0x83: {  	v6 =	vadd.f32 v6, v61  }
0x84: {  	v8 =	vperm.xlane v7, v1  }
0x85: {  	v9 =	vperm.xlane v6, v1  }
0x86: {  	v7 =	vadd.f32 v7, v8  }
0x87: {  	v6 =	vadd.f32 v6, v9  }
0x88: {  	v8 =	vperm.xlane v7, v2  }
0x89: {  	v9 =	vperm.xlane v6, v2  }
0x8a: {  	v7 =	vadd.f32 v7, v8  }
0x8b: {  	v6 =	vadd.f32 v6, v9  }
0x8c: {  	s31 =	sshll.u32 s24, $0x4;
	s24 =	sadd.s32 $0x1, s24;
	v8 =	vperm.xlane v7, v3  }
0x8d: {  	p0 =	sne.s32 s24, $0x8;
	v9 =	vperm.xlane v6, v3  }
.Ltmp1:
0x8e: {  	v62 =	vmov s26;
	v7 =	vadd.f32 v7, v8;
	(pc) =	sbr.rel @p0 .LBB2_2-.Ltmp1, $4  }
0x8f: {  	v63 =	vmov s25;
	vm0 =	veq.s32 v62, v4;
	v6 =	vadd.f32 v6, v9  }
0x90: {  	vm15 =	veq.s32 v63, v4;
	v5 =	vsel vm0, v7, v5  }
0x91: {  	s25 =	sand.u32 $0x3FFFFFF0, s31;
	v5 =	vsel vm15, v6, v5  }
0x92: {  	s3 =	sadd.s32 $0x800, s3;
	s19 =	sadd.s32 $0x800, s19;
	s21 =	sadd.s32 $0x800, s21;
	[tilespmem:s25+$0x18600] =	vst v5  }
0x93: {  	_ =	swait.ge [sflag:s23], $0x4000  }
0x94: {  	[sflag:s23] =	ssyncset.done $0x0  }
0x95: {  	[sflag:s23] =	ssyncadd.s32 $0xFFFFC000  }
0x96: {  	_ =	swait.ge [sflag:s23], $0x4000  }
0x97: {  	[sflag:s23] =	ssyncset.done $0x0  }
0x98: {  	[sflag:s23] =	ssyncadd.s32 $0xFFFFC000  }
0x99: {  	_ =	swait.ge [sflag:s23], $0x4000  }
0x9a: {  	[sflag:s23] =	ssyncset.done $0x0  }
0x9b: {  	s3 =	simm.s32 $0x100;
	[sflag:s23] =	ssyncadd.s32 $0xFFFFC000  }
0x9c: {  	[tilespmem:s13], [sflag:$0x1] =	stream.indirect.gather [hbm4b:s1+s14], $0x80, s3, s14, $0xb8;
	[tilespmem:$0x18800] =	vst v63  }
0x9d: {  	s29 =	simm.s32 $0x500;
	s31 =	simm.s32 $0x300;
	s19 =	simm.s32 $0xC640  }
0x9e: {  	[tilespmem:s15], [sflag:$0x1] =	stream.indirect.gather [hbm4b:s1+s14], $0x80, s29, s14, $0xb8;
	[tilespmem:$0x18800] =	vst v63  }
0x9f: {  	s21 =	simm.s32 $0x10640;
	s30 =	simm.s32 $0x14640;
	s3 =	simm.s32 $0x0  }
0xa0: {  	[tilespmem:s16], [sflag:$0x1] =	stream.indirect.gather [hbm4b:s2+s14], $0x80, s31, s14, $0xb8;
	[tilespmem:$0x18800] =	vst v63  }
.LBB2_6:
0xa1: {  	v5 =	vld [tilespmem:s19+$0xFFFFFFF0]  }
0xa2: {  	v10 =	vld [tilespmem:s19+$0x30]  }
0xa3: {  	v6 =	vld [tilespmem:s19+$0xFFFFFFE0]  }
0xa4: {  	v7 =	vld [tilespmem:s19+$0x20]  }
0xa5: {  	v8 =	vld [tilespmem:s19+$0xFFFFFFD0]  }
0xa6: {  	v9 =	vld [tilespmem:s19+$0xFFFFFFC0]  }
0xa7: {  	v11 =	vld [tilespmem:s19+$0x0]  }
0xa8: {  	v12 =	vld [tilespmem:s21+$0xFFFFFFC0]  }
0xa9: {  	v13 =	vld [tilespmem:s21+$0x0]  }
0xaa: {  	v14 =	vld [tilespmem:s19+$0x10]  }
0xab: {  	v15 =	vld [tilespmem:s21+$0xFFFFFFD0]  }
0xac: {  	v16 =	vld [tilespmem:s21+$0x10]  }
0xad: {  	v17 =	vld [tilespmem:s30+$0xFFFFFFC0]  }
0xae: {  	v18 =	vld [tilespmem:s21+$0xFFFFFFE0];
	v19 =	vmul.f32 v12, v9;
	v20 =	vmul.f32 v13, v11  }
0xaf: {  	v21 =	vld [tilespmem:s30+$0x0]  }
0xb0: {  	v22 =	vld [tilespmem:s21+$0x20];
	v9 =	vmul.f32 v13, v9;
	v11 =	vmul.f32 v12, v11;
	v13 =	vadd.f32 v20, v19  }
0xb1: {  	v12 =	vld [tilespmem:s30+$0xFFFFFFD0];
	v61 =	vmul.f32 v16, v14  }
0xb2: {  	v23 =	vld [tilespmem:s21+$0xFFFFFFF0];
	v19 =	vmul.f32 v15, v8;
	v9 =	vsub.f32 v9, v11;
	v13 =	vmul.f32 v13, v17  }
0xb3: {  	v14 =	vmul.f32 v15, v14;
	v11 =	vld [tilespmem:s30+$0x10];
	v8 =	vmul.f32 v16, v8  }
0xb4: {  	v16 =	vld [tilespmem:s21+$0x30];
	v17 =	vadd.f32 v61, v19;
	v9 =	vmul.f32 v9, v21;
	v13 =	vadd.f32 $0.0e+00, v13  }
0xb5: {  	v62 =	vmul.f32 v22, v7;
	v15 =	vld [tilespmem:s30+$0xFFFFFFE0];
	v19 =	vmul.f32 v18, v6  }
0xb6: {  	v63 =	vld [tilespmem:s30+$0x30];
	v8 =	vsub.f32 v8, v14;
	v12 =	vmul.f32 v17, v12;
	v9 =	vadd.f32 v13, v9  }
0xb7: {  	s29 =	sadd.s32 $0x80, s19;
	v18 =	vmul.f32 v18, v7;
	v14 =	vadd.f32 v62, v19;
	v13 =	vld [tilespmem:s30+$0x20]  }
0xb8: {  	v7 =	vld [tilespmem:s29+$0x30];
	v17 =	vmul.f32 v22, v6;
	v8 =	vmul.f32 v8, v11;
	v9 =	vadd.f32 v12, v9  }
0xb9: {  	v19 =	vld [tilespmem:s30+$0xFFFFFFF0];
	v11 =	vmul.f32 v23, v5;
	v12 =	vmul.f32 v16, v10  }
0xba: {  	v6 =	vld [tilespmem:s29+$0xFFFFFFF0];
	v17 =	vsub.f32 v17, v18;
	v14 =	vmul.f32 v14, v15;
	v18 =	vadd.f32 v9, v8  }
0xbb: {  	v5 =	vmul.f32 v16, v5;
	v8 =	vld [tilespmem:s29+$0xFFFFFFE0];
	v11 =	vadd.f32 v12, v11  }
0xbc: {  	v9 =	vld [tilespmem:s29+$0x20];
	v12 =	vmul.f32 v23, v10;
	v15 =	vmul.f32 v17, v13;
	v14 =	vadd.f32 v14, v18  }
0xbd: {  	v10 =	vld [tilespmem:s29+$0xFFFFFFD0]  }
0xbe: {  	v13 =	vld [tilespmem:s29+$0xFFFFFFC0];
	v11 =	vmul.f32 v11, v19;
	v12 =	vsub.f32 v5, v12;
	v16 =	vadd.f32 v14, v15  }
0xbf: {  	s28 =	sadd.s32 $0x80, s21;
	v14 =	vld [tilespmem:s29+$0x0]  }
0xc0: {  	s25 =	simm.s32 $0x1;
	v15 =	vld [tilespmem:s28+$0xFFFFFFC0];
	v12 =	vmul.f32 v12, v63;
	v11 =	vadd.f32 v11, v16  }
0xc1: {  	s31 =	simm.s32 $0x2;
	s24 =	smov.u32 s30;
	s26 =	simm.s32 $0x0;
	v5 =	vimm.f32 $0.0e+00;
	v16 =	vld [tilespmem:s28+$0x0]  }
.LBB2_7:
0xc2: {  	p0 =	sne.s32 s31, $0xF;
	v17 =	vld [tilespmem:s29+$0x10];
	v11 =	vadd.f32 v11, v12  }
0xc3: {  	v12 =	vld [tilespmem:s28+$0xFFFFFFD0]  }
0xc4: {  	s24 =	sadd.s32 $0x80, s24;
	v18 =	vld [tilespmem:s28+$0x10];
	v19 =	vperm.xlane v11, v0  }
0xc5: {  	v20 =	vld [tilespmem:s24+$0xFFFFFFC0]  }
0xc6: {  	v21 =	vmul.f32 v15, v13;
	v22 =	vmul.f32 v16, v14;
	v23 =	vld [tilespmem:s28+$0xFFFFFFE0];
	v11 =	vadd.f32 v11, v19  }
0xc7: {  	v13 =	vmul.f32 v16, v13;
	v16 =	vmov s26;
	s26 =	smov.u32 s25;
	s25 =	smov.u32 s31;
	v19 =	vld [tilespmem:s24+$0x0]  }
0xc8: {  	v14 =	vmul.f32 v15, v14;
	v21 =	vadd.f32 v22, v21;
	v15 =	vld [tilespmem:s28+$0x20];
	v22 =	vperm.xlane v11, v1  }
0xc9: {  	vm0 =	veq.s32 v16, v4;
	v25 =	vmul.f32 v12, v10;
	v24 =	vld [tilespmem:s24+$0xFFFFFFD0];
	v26 =	vmul.f32 v18, v17  }
0xca: {  	v13 =	vsub.f32 v13, v14;
	v16 =	vmul.f32 v21, v20;
	v14 =	vld [tilespmem:s28+$0xFFFFFFF0];
	v11 =	vadd.f32 v11, v22  }
0xcb: {  	v12 =	vmul.f32 v12, v17;
	v10 =	vmul.f32 v18, v10;
	v20 =	vld [tilespmem:s24+$0x10];
	v21 =	vadd.f32 v26, v25  }
0xcc: {  	v16 =	vadd.f32 $0.0e+00, v16;
	v13 =	vmul.f32 v13, v19;
	v17 =	vld [tilespmem:s28+$0x30];
	v18 =	vperm.xlane v11, v2  }
0xcd: {  	v10 =	vsub.f32 v10, v12;
	v19 =	vmul.f32 v23, v8;
	v12 =	vld [tilespmem:s24+$0xFFFFFFE0];
	v22 =	vmul.f32 v15, v9  }
0xce: {  	v13 =	vadd.f32 v16, v13;
	v16 =	vmul.f32 v21, v24;
	v21 =	vld [tilespmem:s24+$0x30];
	v11 =	vadd.f32 v11, v18  }
0xcf: {  	v8 =	vmul.f32 v15, v8;
	v9 =	vmul.f32 v23, v9;
	v18 =	vld [tilespmem:s24+$0x20];
	v19 =	vadd.f32 v22, v19  }
0xd0: {  	s29 =	sadd.s32 $0x80, s29;
	v13 =	vadd.f32 v16, v13;
	v10 =	vmul.f32 v10, v20;
	v15 =	vld [tilespmem:s24+$0xFFFFFFF0];
	v16 =	vperm.xlane v11, v3  }
0xd1: {  	v22 =	vsub.f32 v8, v9;
	v9 =	vmul.f32 v14, v6;
	v20 =	vld [tilespmem:s29+$0xFFFFFFF0];
	v23 =	vmul.f32 v17, v7  }
0xd2: {  	v24 =	vld [tilespmem:s29+$0x30];
	v10 =	vadd.f32 v13, v10;
	v12 =	vmul.f32 v19, v12;
	v11 =	vadd.f32 v11, v16  }
0xd3: {  	v17 =	vmul.f32 v17, v6;
	v7 =	vmul.f32 v14, v7;
	v8 =	vld [tilespmem:s29+$0xFFFFFFE0];
	v16 =	vadd.f32 v23, v9  }
0xd4: {  	v9 =	vld [tilespmem:s29+$0x20];
	v12 =	vadd.f32 v12, v10;
	v14 =	vmul.f32 v22, v18;
	v5 =	vsel vm0, v11, v5  }
.Ltmp2:
0xd5: {  	v10 =	vld [tilespmem:s29+$0xFFFFFFD0];
	(pc) =	sbr.rel @p0 .LBB2_7-.Ltmp2, $4  }
0xd6: {  	v13 =	vld [tilespmem:s29+$0xFFFFFFC0];
	v11 =	vadd.f32 v12, v14;
	v12 =	vmul.f32 v16, v15;
	v16 =	vsub.f32 v17, v7;
	v6 =	vmovc v20  }
0xd7: {  	s28 =	sadd.s32 $0x80, s28;
	v14 =	vld [tilespmem:s29+$0x0];
	v7 =	vmov v24  }
0xd8: {  	v15 =	vld [tilespmem:s28+$0xFFFFFFC0];
	v11 =	vadd.f32 v12, v11;
	v12 =	vmul.f32 v16, v21  }
0xd9: {  	s31 =	sadd.s32 $0x1, s31;
	v16 =	vld [tilespmem:s28+$0x0]  }
0xda: {  	v17 =	vld [tilespmem:s29+$0x10]  }
0xdb: {  	v18 =	vld [tilespmem:s28+$0xFFFFFFD0]  }
0xdc: {  	v19 =	vld [tilespmem:s28+$0x10];
	s24 =	sadd.s32 $0x80, s24  }
0xdd: {  	v20 =	vld [tilespmem:s24+$0xFFFFFFC0]  }
0xde: {  	v23 =	vld [tilespmem:s28+$0xFFFFFFE0];
	v21 =	vmul.f32 v15, v13;
	v22 =	vmul.f32 v16, v14  }
0xdf: {  	v24 =	vld [tilespmem:s24+$0x0]  }
0xe0: {  	v38 =	vld [tilespmem:s28+$0x20];
	v37 =	vmul.f32 v15, v14;
	v35 =	vmul.f32 v16, v13;
	v36 =	vadd.f32 v22, v21  }
0xe1: {  	v39 =	vld [tilespmem:s24+$0xFFFFFFD0];
	v40 =	vmul.f32 v18, v10  }
0xe2: {  	v41 =	vld [tilespmem:s28+$0xFFFFFFF0];
	v25 =	vmul.f32 v19, v17;
	v13 =	vsub.f32 v35, v37;
	v16 =	vmul.f32 v36, v20  }
0xe3: {  	v42 =	vld [tilespmem:s24+$0x10];
	v43 =	vmul.f32 v19, v10;
	v17 =	vmul.f32 v18, v17  }
0xe4: {  	v44 =	vld [tilespmem:s28+$0x30];
	v22 =	vadd.f32 v25, v40;
	v13 =	vmul.f32 v13, v24;
	v16 =	vadd.f32 $0.0e+00, v16  }
0xe5: {  	v45 =	vld [tilespmem:s24+$0xFFFFFFE0];
	v46 =	vmul.f32 v23, v8;
	v47 =	vmul.f32 v38, v9  }
0xe6: {  	v10 =	vsub.f32 v43, v17;
	v48 =	vmul.f32 v22, v39;
	v13 =	vadd.f32 v16, v13  }
0xe7: {  	v49 =	vld [tilespmem:s24+$0x20];
	v51 =	vmul.f32 v38, v8;
	v52 =	vmul.f32 v23, v9  }
0xe8: {  	v50 =	vadd.f32 v47, v46;
	v10 =	vmul.f32 v10, v42;
	v13 =	vadd.f32 v48, v13  }
0xe9: {  	v53 =	vld [tilespmem:s24+$0xFFFFFFF0];
	v54 =	vmul.f32 v41, v6;
	v55 =	vmul.f32 v44, v7  }
0xea: {  	v8 =	vsub.f32 v51, v52;
	v57 =	vmul.f32 v50, v45;
	v56 =	vadd.f32 v13, v10  }
0xeb: {  	v58 =	vld [tilespmem:s24+$0x30];
	v6 =	vmul.f32 v44, v6;
	v7 =	vmul.f32 v41, v7  }
0xec: {  	v8 =	vmul.f32 v8, v49;
	v16 =	vadd.f32 v55, v54;
	v9 =	vadd.f32 v57, v56;
	_ =	sdelay $0x1  }
0xed: {  	v6 =	vsub.f32 v6, v7;
	v59 =	vmul.f32 v16, v53;
	v8 =	vadd.f32 v9, v8;
	_ =	sdelay $0x1  }
0xee: {  	v6 =	vmul.f32 v6, v58;
	v7 =	vadd.f32 v59, v8  }
0xef: {  	v60 =	vadd.f32 v11, v12  }
0xf0: {  	v6 =	vadd.f32 v7, v6  }
0xf1: {  	v7 =	vperm.xlane v60, v0  }
0xf2: {  	v61 =	vperm.xlane v6, v0  }
0xf3: {  	v7 =	vadd.f32 v60, v7  }
0xf4: {  	v6 =	vadd.f32 v6, v61  }
0xf5: {  	v8 =	vperm.xlane v7, v1  }
0xf6: {  	v9 =	vperm.xlane v6, v1  }
0xf7: {  	v7 =	vadd.f32 v7, v8  }
0xf8: {  	v6 =	vadd.f32 v6, v9  }
0xf9: {  	v8 =	vperm.xlane v7, v2  }
0xfa: {  	v9 =	vperm.xlane v6, v2  }
0xfb: {  	v7 =	vadd.f32 v7, v8  }
0xfc: {  	v6 =	vadd.f32 v6, v9  }
0xfd: {  	s31 =	sshll.u32 s3, $0x4;
	s3 =	sadd.s32 $0x1, s3;
	v8 =	vperm.xlane v7, v3  }
0xfe: {  	p0 =	sne.s32 s3, $0x8;
	v9 =	vperm.xlane v6, v3  }
.Ltmp3:
0xff: {  	v62 =	vmov s26;
	v7 =	vadd.f32 v7, v8;
	(pc) =	sbr.rel @p0 .LBB2_6-.Ltmp3, $4  }
0x100: {  	v63 =	vmov s25;
	vm0 =	veq.s32 v62, v4;
	v6 =	vadd.f32 v6, v9  }
0x101: {  	vm15 =	veq.s32 v63, v4;
	v5 =	vsel vm0, v7, v5  }
0x102: {  	s24 =	sand.u32 $0x3FFFFFF0, s31;
	v5 =	vsel vm15, v6, v5  }
0x103: {  	s19 =	sadd.s32 $0x800, s19;
	s21 =	sadd.s32 $0x800, s21;
	s30 =	sadd.s32 $0x800, s30;
	[tilespmem:s24+$0x18680] =	vst v5  }
0x104: {  	_ =	swait.ge [sflag:s17], $0x4000  }
0x105: {  	[sflag:s17] =	ssyncset.done $0x0  }
0x106: {  	[sflag:s17] =	ssyncadd.s32 $0xFFFFC000  }
0x107: {  	_ =	swait.ge [sflag:s17], $0x4000  }
0x108: {  	[sflag:s17] =	ssyncset.done $0x0  }
0x109: {  	[sflag:s17] =	ssyncadd.s32 $0xFFFFC000  }
0x10a: {  	_ =	swait.ge [sflag:s17], $0x4000  }
0x10b: {  	[sflag:s17] =	ssyncset.done $0x0  }
0x10c: {  	s3 =	simm.s32 $0x180;
	[sflag:s17] =	ssyncadd.s32 $0xFFFFC000  }
0x10d: {  	[tilespmem:s18], [sflag:$0x2] =	stream.indirect.gather [hbm4b:s1+s14], $0x80, s3, s14, $0xb8;
	[tilespmem:$0x18800] =	vst v63  }
0x10e: {  	s30 =	simm.s32 $0x580;
	s31 =	simm.s32 $0x380;
	s19 =	simm.s32 $0x640  }
0x10f: {  	[tilespmem:s20], [sflag:$0x2] =	stream.indirect.gather [hbm4b:s1+s14], $0x80, s30, s14, $0xb8;
	[tilespmem:$0x18800] =	vst v63  }
0x110: {  	s21 =	simm.s32 $0x4640;
	s24 =	simm.s32 $0x8640;
	s3 =	simm.s32 $0x0  }
0x111: {  	[tilespmem:s22], [sflag:$0x2] =	stream.indirect.gather [hbm4b:s2+s14], $0x80, s31, s14, $0xb8;
	[tilespmem:$0x18800] =	vst v63  }
.LBB2_10:
0x112: {  	v5 =	vld [tilespmem:s19+$0xFFFFFFF0]  }
0x113: {  	v10 =	vld [tilespmem:s19+$0x30]  }
0x114: {  	v6 =	vld [tilespmem:s19+$0xFFFFFFE0]  }
0x115: {  	v7 =	vld [tilespmem:s19+$0x20]  }
0x116: {  	v8 =	vld [tilespmem:s19+$0xFFFFFFD0]  }
0x117: {  	v9 =	vld [tilespmem:s19+$0xFFFFFFC0]  }
0x118: {  	v11 =	vld [tilespmem:s19+$0x0]  }
0x119: {  	v12 =	vld [tilespmem:s21+$0xFFFFFFC0]  }
0x11a: {  	v13 =	vld [tilespmem:s21+$0x0]  }
0x11b: {  	v14 =	vld [tilespmem:s19+$0x10]  }
0x11c: {  	v15 =	vld [tilespmem:s21+$0xFFFFFFD0]  }
0x11d: {  	v16 =	vld [tilespmem:s21+$0x10]  }
0x11e: {  	v17 =	vld [tilespmem:s24+$0xFFFFFFC0]  }
0x11f: {  	v18 =	vld [tilespmem:s21+$0xFFFFFFE0];
	v19 =	vmul.f32 v12, v9;
	v20 =	vmul.f32 v13, v11  }
0x120: {  	v21 =	vld [tilespmem:s24+$0x0]  }
0x121: {  	v22 =	vld [tilespmem:s21+$0x20];
	v9 =	vmul.f32 v13, v9;
	v11 =	vmul.f32 v12, v11;
	v13 =	vadd.f32 v20, v19  }
0x122: {  	v12 =	vld [tilespmem:s24+$0xFFFFFFD0];
	v61 =	vmul.f32 v16, v14  }
0x123: {  	v23 =	vld [tilespmem:s21+$0xFFFFFFF0];
	v19 =	vmul.f32 v15, v8;
	v9 =	vsub.f32 v9, v11;
	v13 =	vmul.f32 v13, v17  }
0x124: {  	v14 =	vmul.f32 v15, v14;
	v11 =	vld [tilespmem:s24+$0x10];
	v8 =	vmul.f32 v16, v8  }
0x125: {  	v16 =	vld [tilespmem:s21+$0x30];
	v17 =	vadd.f32 v61, v19;
	v9 =	vmul.f32 v9, v21;
	v13 =	vadd.f32 $0.0e+00, v13  }
0x126: {  	v62 =	vmul.f32 v22, v7;
	v15 =	vld [tilespmem:s24+$0xFFFFFFE0];
	v19 =	vmul.f32 v18, v6  }
0x127: {  	v63 =	vld [tilespmem:s24+$0x30];
	v8 =	vsub.f32 v8, v14;
	v12 =	vmul.f32 v17, v12;
	v9 =	vadd.f32 v13, v9  }
0x128: {  	s29 =	sadd.s32 $0x80, s19;
	v18 =	vmul.f32 v18, v7;
	v14 =	vadd.f32 v62, v19;
	v13 =	vld [tilespmem:s24+$0x20]  }
0x129: {  	v7 =	vld [tilespmem:s29+$0x30];
	v17 =	vmul.f32 v22, v6;
	v8 =	vmul.f32 v8, v11;
	v9 =	vadd.f32 v12, v9  }
0x12a: {  	v19 =	vld [tilespmem:s24+$0xFFFFFFF0];
	v11 =	vmul.f32 v23, v5;
	v12 =	vmul.f32 v16, v10  }
0x12b: {  	v6 =	vld [tilespmem:s29+$0xFFFFFFF0];
	v17 =	vsub.f32 v17, v18;
	v14 =	vmul.f32 v14, v15;
	v18 =	vadd.f32 v9, v8  }
0x12c: {  	v5 =	vmul.f32 v16, v5;
	v8 =	vld [tilespmem:s29+$0xFFFFFFE0];
	v11 =	vadd.f32 v12, v11  }
0x12d: {  	v9 =	vld [tilespmem:s29+$0x20];
	v12 =	vmul.f32 v23, v10;
	v15 =	vmul.f32 v17, v13;
	v14 =	vadd.f32 v14, v18  }
0x12e: {  	v10 =	vld [tilespmem:s29+$0xFFFFFFD0]  }
0x12f: {  	v13 =	vld [tilespmem:s29+$0xFFFFFFC0];
	v11 =	vmul.f32 v11, v19;
	v12 =	vsub.f32 v5, v12;
	v16 =	vadd.f32 v14, v15  }
0x130: {  	s28 =	sadd.s32 $0x80, s21;
	v14 =	vld [tilespmem:s29+$0x0]  }
0x131: {  	s25 =	simm.s32 $0x1;
	v15 =	vld [tilespmem:s28+$0xFFFFFFC0];
	v12 =	vmul.f32 v12, v63;
	v11 =	vadd.f32 v11, v16  }
0x132: {  	s31 =	simm.s32 $0x2;
	s30 =	smov.u32 s24;
	s26 =	simm.s32 $0x0;
	v5 =	vimm.f32 $0.0e+00;
	v16 =	vld [tilespmem:s28+$0x0]  }
.LBB2_11:
0x133: {  	p0 =	sne.s32 s31, $0xF;
	v17 =	vld [tilespmem:s29+$0x10];
	v11 =	vadd.f32 v11, v12  }
0x134: {  	v12 =	vld [tilespmem:s28+$0xFFFFFFD0]  }
0x135: {  	s30 =	sadd.s32 $0x80, s30;
	v18 =	vld [tilespmem:s28+$0x10];
	v19 =	vperm.xlane v11, v0  }
0x136: {  	v20 =	vld [tilespmem:s30+$0xFFFFFFC0]  }
0x137: {  	v21 =	vmul.f32 v15, v13;
	v22 =	vmul.f32 v16, v14;
	v23 =	vld [tilespmem:s28+$0xFFFFFFE0];
	v11 =	vadd.f32 v11, v19  }
0x138: {  	v13 =	vmul.f32 v16, v13;
	v16 =	vmov s26;
	s26 =	smov.u32 s25;
	s25 =	smov.u32 s31;
	v19 =	vld [tilespmem:s30+$0x0]  }
0x139: {  	v14 =	vmul.f32 v15, v14;
	v21 =	vadd.f32 v22, v21;
	v15 =	vld [tilespmem:s28+$0x20];
	v22 =	vperm.xlane v11, v1  }
0x13a: {  	vm0 =	veq.s32 v16, v4;
	v25 =	vmul.f32 v12, v10;
	v24 =	vld [tilespmem:s30+$0xFFFFFFD0];
	v26 =	vmul.f32 v18, v17  }
0x13b: {  	v13 =	vsub.f32 v13, v14;
	v16 =	vmul.f32 v21, v20;
	v14 =	vld [tilespmem:s28+$0xFFFFFFF0];
	v11 =	vadd.f32 v11, v22  }
0x13c: {  	v12 =	vmul.f32 v12, v17;
	v10 =	vmul.f32 v18, v10;
	v20 =	vld [tilespmem:s30+$0x10];
	v21 =	vadd.f32 v26, v25  }
0x13d: {  	v16 =	vadd.f32 $0.0e+00, v16;
	v13 =	vmul.f32 v13, v19;
	v17 =	vld [tilespmem:s28+$0x30];
	v18 =	vperm.xlane v11, v2  }
0x13e: {  	v10 =	vsub.f32 v10, v12;
	v19 =	vmul.f32 v23, v8;
	v12 =	vld [tilespmem:s30+$0xFFFFFFE0];
	v22 =	vmul.f32 v15, v9  }
0x13f: {  	v13 =	vadd.f32 v16, v13;
	v16 =	vmul.f32 v21, v24;
	v21 =	vld [tilespmem:s30+$0x30];
	v11 =	vadd.f32 v11, v18  }
0x140: {  	v8 =	vmul.f32 v15, v8;
	v9 =	vmul.f32 v23, v9;
	v18 =	vld [tilespmem:s30+$0x20];
	v19 =	vadd.f32 v22, v19  }
0x141: {  	s29 =	sadd.s32 $0x80, s29;
	v13 =	vadd.f32 v16, v13;
	v10 =	vmul.f32 v10, v20;
	v15 =	vld [tilespmem:s30+$0xFFFFFFF0];
	v16 =	vperm.xlane v11, v3  }
0x142: {  	v22 =	vsub.f32 v8, v9;
	v9 =	vmul.f32 v14, v6;
	v20 =	vld [tilespmem:s29+$0xFFFFFFF0];
	v23 =	vmul.f32 v17, v7  }
0x143: {  	v24 =	vld [tilespmem:s29+$0x30];
	v10 =	vadd.f32 v13, v10;
	v12 =	vmul.f32 v19, v12;
	v11 =	vadd.f32 v11, v16  }
0x144: {  	v17 =	vmul.f32 v17, v6;
	v7 =	vmul.f32 v14, v7;
	v8 =	vld [tilespmem:s29+$0xFFFFFFE0];
	v16 =	vadd.f32 v23, v9  }
0x145: {  	v9 =	vld [tilespmem:s29+$0x20];
	v12 =	vadd.f32 v12, v10;
	v14 =	vmul.f32 v22, v18;
	v5 =	vsel vm0, v11, v5  }
.Ltmp4:
0x146: {  	v10 =	vld [tilespmem:s29+$0xFFFFFFD0];
	(pc) =	sbr.rel @p0 .LBB2_11-.Ltmp4, $4  }
0x147: {  	v13 =	vld [tilespmem:s29+$0xFFFFFFC0];
	v11 =	vadd.f32 v12, v14;
	v12 =	vmul.f32 v16, v15;
	v16 =	vsub.f32 v17, v7;
	v6 =	vmovc v20  }
0x148: {  	s28 =	sadd.s32 $0x80, s28;
	v14 =	vld [tilespmem:s29+$0x0];
	v7 =	vmov v24  }
0x149: {  	v15 =	vld [tilespmem:s28+$0xFFFFFFC0];
	v11 =	vadd.f32 v12, v11;
	v12 =	vmul.f32 v16, v21  }
0x14a: {  	s31 =	sadd.s32 $0x1, s31;
	v16 =	vld [tilespmem:s28+$0x0]  }
0x14b: {  	v17 =	vld [tilespmem:s29+$0x10]  }
0x14c: {  	v18 =	vld [tilespmem:s28+$0xFFFFFFD0]  }
0x14d: {  	v19 =	vld [tilespmem:s28+$0x10];
	s30 =	sadd.s32 $0x80, s30  }
0x14e: {  	v20 =	vld [tilespmem:s30+$0xFFFFFFC0]  }
0x14f: {  	v23 =	vld [tilespmem:s28+$0xFFFFFFE0];
	v21 =	vmul.f32 v15, v13;
	v22 =	vmul.f32 v16, v14  }
0x150: {  	v24 =	vld [tilespmem:s30+$0x0]  }
0x151: {  	v38 =	vld [tilespmem:s28+$0x20];
	v37 =	vmul.f32 v15, v14;
	v35 =	vmul.f32 v16, v13;
	v36 =	vadd.f32 v22, v21  }
0x152: {  	v39 =	vld [tilespmem:s30+$0xFFFFFFD0];
	v40 =	vmul.f32 v18, v10  }
0x153: {  	v41 =	vld [tilespmem:s28+$0xFFFFFFF0];
	v25 =	vmul.f32 v19, v17;
	v13 =	vsub.f32 v35, v37;
	v16 =	vmul.f32 v36, v20  }
0x154: {  	v42 =	vld [tilespmem:s30+$0x10];
	v43 =	vmul.f32 v19, v10;
	v17 =	vmul.f32 v18, v17  }
0x155: {  	v44 =	vld [tilespmem:s28+$0x30];
	v22 =	vadd.f32 v25, v40;
	v13 =	vmul.f32 v13, v24;
	v16 =	vadd.f32 $0.0e+00, v16  }
0x156: {  	v45 =	vld [tilespmem:s30+$0xFFFFFFE0];
	v46 =	vmul.f32 v23, v8;
	v47 =	vmul.f32 v38, v9  }
0x157: {  	v10 =	vsub.f32 v43, v17;
	v48 =	vmul.f32 v22, v39;
	v13 =	vadd.f32 v16, v13  }
0x158: {  	v49 =	vld [tilespmem:s30+$0x20];
	v51 =	vmul.f32 v38, v8;
	v52 =	vmul.f32 v23, v9  }
0x159: {  	v50 =	vadd.f32 v47, v46;
	v10 =	vmul.f32 v10, v42;
	v13 =	vadd.f32 v48, v13  }
0x15a: {  	v53 =	vld [tilespmem:s30+$0xFFFFFFF0];
	v54 =	vmul.f32 v41, v6;
	v55 =	vmul.f32 v44, v7  }
0x15b: {  	v8 =	vsub.f32 v51, v52;
	v57 =	vmul.f32 v50, v45;
	v56 =	vadd.f32 v13, v10  }
0x15c: {  	v58 =	vld [tilespmem:s30+$0x30];
	v6 =	vmul.f32 v44, v6;
	v7 =	vmul.f32 v41, v7  }
0x15d: {  	v8 =	vmul.f32 v8, v49;
	v16 =	vadd.f32 v55, v54;
	v9 =	vadd.f32 v57, v56;
	_ =	sdelay $0x1  }
0x15e: {  	v6 =	vsub.f32 v6, v7;
	v59 =	vmul.f32 v16, v53;
	v8 =	vadd.f32 v9, v8;
	_ =	sdelay $0x1  }
0x15f: {  	v6 =	vmul.f32 v6, v58;
	v7 =	vadd.f32 v59, v8  }
0x160: {  	v60 =	vadd.f32 v11, v12  }
0x161: {  	v6 =	vadd.f32 v7, v6  }
0x162: {  	v7 =	vperm.xlane v60, v0  }
0x163: {  	v61 =	vperm.xlane v6, v0  }
0x164: {  	v7 =	vadd.f32 v60, v7  }
0x165: {  	v6 =	vadd.f32 v6, v61  }
0x166: {  	v8 =	vperm.xlane v7, v1  }
0x167: {  	v9 =	vperm.xlane v6, v1  }
0x168: {  	v7 =	vadd.f32 v7, v8  }
0x169: {  	v6 =	vadd.f32 v6, v9  }
0x16a: {  	v8 =	vperm.xlane v7, v2  }
0x16b: {  	v9 =	vperm.xlane v6, v2  }
0x16c: {  	v7 =	vadd.f32 v7, v8  }
0x16d: {  	v6 =	vadd.f32 v6, v9  }
0x16e: {  	s31 =	sshll.u32 s3, $0x4;
	s3 =	sadd.s32 $0x1, s3;
	v8 =	vperm.xlane v7, v3  }
0x16f: {  	p0 =	sne.s32 s3, $0x8;
	v9 =	vperm.xlane v6, v3  }
.Ltmp5:
0x170: {  	v62 =	vmov s26;
	v7 =	vadd.f32 v7, v8;
	(pc) =	sbr.rel @p0 .LBB2_10-.Ltmp5, $4  }
0x171: {  	v63 =	vmov s25;
	vm0 =	veq.s32 v62, v4;
	v6 =	vadd.f32 v6, v9  }
0x172: {  	vm15 =	veq.s32 v63, v4;
	v5 =	vsel vm0, v7, v5  }
0x173: {  	s25 =	sand.u32 $0x3FFFFFF0, s31;
	v5 =	vsel vm15, v6, v5  }
0x174: {  	s19 =	sadd.s32 $0x800, s19;
	s21 =	sadd.s32 $0x800, s21;
	s24 =	sadd.s32 $0x800, s24;
	[tilespmem:s25+$0x18700] =	vst v5  }
0x175: {  	_ =	swait.ge [sflag:s23], $0x4000  }
0x176: {  	[sflag:s23] =	ssyncset.done $0x0  }
0x177: {  	[sflag:s23] =	ssyncadd.s32 $0xFFFFC000  }
0x178: {  	_ =	swait.ge [sflag:s23], $0x4000  }
0x179: {  	[sflag:s23] =	ssyncset.done $0x0  }
0x17a: {  	[sflag:s23] =	ssyncadd.s32 $0xFFFFC000  }
0x17b: {  	_ =	swait.ge [sflag:s23], $0x4000  }
0x17c: {  	s3 =	simm.s32 $0x0;
	s19 =	simm.s32 $0xC640;
	[sflag:s23] =	ssyncset.done $0x0  }
0x17d: {  	s21 =	simm.s32 $0x10640;
	s24 =	simm.s32 $0x14640;
	[sflag:s23] =	ssyncadd.s32 $0xFFFFC000  }
.LBB2_14:
0x17e: {  	v5 =	vld [tilespmem:s19+$0xFFFFFFF0]  }
0x17f: {  	v10 =	vld [tilespmem:s19+$0x30]  }
0x180: {  	v6 =	vld [tilespmem:s19+$0xFFFFFFE0]  }
0x181: {  	v7 =	vld [tilespmem:s19+$0x20]  }
0x182: {  	v8 =	vld [tilespmem:s19+$0xFFFFFFD0]  }
0x183: {  	v9 =	vld [tilespmem:s19+$0xFFFFFFC0]  }
0x184: {  	v11 =	vld [tilespmem:s19+$0x0]  }
0x185: {  	v12 =	vld [tilespmem:s21+$0xFFFFFFC0]  }
0x186: {  	v13 =	vld [tilespmem:s21+$0x0]  }
0x187: {  	v14 =	vld [tilespmem:s19+$0x10]  }
0x188: {  	v15 =	vld [tilespmem:s21+$0xFFFFFFD0]  }
0x189: {  	v16 =	vld [tilespmem:s21+$0x10]  }
0x18a: {  	v17 =	vld [tilespmem:s24+$0xFFFFFFC0]  }
0x18b: {  	v18 =	vld [tilespmem:s21+$0xFFFFFFE0];
	v19 =	vmul.f32 v12, v9;
	v20 =	vmul.f32 v13, v11  }
0x18c: {  	v21 =	vld [tilespmem:s24+$0x0]  }
0x18d: {  	v22 =	vld [tilespmem:s21+$0x20];
	v9 =	vmul.f32 v13, v9;
	v11 =	vmul.f32 v12, v11;
	v13 =	vadd.f32 v20, v19  }
0x18e: {  	v12 =	vld [tilespmem:s24+$0xFFFFFFD0];
	v61 =	vmul.f32 v16, v14  }
0x18f: {  	v23 =	vld [tilespmem:s21+$0xFFFFFFF0];
	v19 =	vmul.f32 v15, v8;
	v9 =	vsub.f32 v9, v11;
	v13 =	vmul.f32 v13, v17  }
0x190: {  	v14 =	vmul.f32 v15, v14;
	v11 =	vld [tilespmem:s24+$0x10];
	v8 =	vmul.f32 v16, v8  }
0x191: {  	v16 =	vld [tilespmem:s21+$0x30];
	v17 =	vadd.f32 v61, v19;
	v9 =	vmul.f32 v9, v21;
	v13 =	vadd.f32 $0.0e+00, v13  }
0x192: {  	v62 =	vmul.f32 v22, v7;
	v15 =	vld [tilespmem:s24+$0xFFFFFFE0];
	v19 =	vmul.f32 v18, v6  }
0x193: {  	v63 =	vld [tilespmem:s24+$0x30];
	v8 =	vsub.f32 v8, v14;
	v12 =	vmul.f32 v17, v12;
	v9 =	vadd.f32 v13, v9  }
0x194: {  	s29 =	sadd.s32 $0x80, s19;
	v18 =	vmul.f32 v18, v7;
	v14 =	vadd.f32 v62, v19;
	v13 =	vld [tilespmem:s24+$0x20]  }
0x195: {  	v7 =	vld [tilespmem:s29+$0x30];
	v17 =	vmul.f32 v22, v6;
	v8 =	vmul.f32 v8, v11;
	v9 =	vadd.f32 v12, v9  }
0x196: {  	v19 =	vld [tilespmem:s24+$0xFFFFFFF0];
	v11 =	vmul.f32 v23, v5;
	v12 =	vmul.f32 v16, v10  }
0x197: {  	v6 =	vld [tilespmem:s29+$0xFFFFFFF0];
	v17 =	vsub.f32 v17, v18;
	v14 =	vmul.f32 v14, v15;
	v18 =	vadd.f32 v9, v8  }
0x198: {  	v5 =	vmul.f32 v16, v5;
	v8 =	vld [tilespmem:s29+$0xFFFFFFE0];
	v11 =	vadd.f32 v12, v11  }
0x199: {  	v9 =	vld [tilespmem:s29+$0x20];
	v12 =	vmul.f32 v23, v10;
	v15 =	vmul.f32 v17, v13;
	v14 =	vadd.f32 v14, v18  }
0x19a: {  	v10 =	vld [tilespmem:s29+$0xFFFFFFD0]  }
0x19b: {  	v13 =	vld [tilespmem:s29+$0xFFFFFFC0];
	v11 =	vmul.f32 v11, v19;
	v12 =	vsub.f32 v5, v12;
	v16 =	vadd.f32 v14, v15  }
0x19c: {  	s28 =	sadd.s32 $0x80, s21;
	v14 =	vld [tilespmem:s29+$0x0]  }
0x19d: {  	s25 =	simm.s32 $0x1;
	v15 =	vld [tilespmem:s28+$0xFFFFFFC0];
	v12 =	vmul.f32 v12, v63;
	v11 =	vadd.f32 v11, v16  }
0x19e: {  	s31 =	simm.s32 $0x2;
	s30 =	smov.u32 s24;
	s26 =	simm.s32 $0x0;
	v5 =	vimm.f32 $0.0e+00;
	v16 =	vld [tilespmem:s28+$0x0]  }
.LBB2_15:
0x19f: {  	p0 =	sne.s32 s31, $0xF;
	v17 =	vld [tilespmem:s29+$0x10];
	v11 =	vadd.f32 v11, v12  }
0x1a0: {  	v12 =	vld [tilespmem:s28+$0xFFFFFFD0]  }
0x1a1: {  	s30 =	sadd.s32 $0x80, s30;
	v18 =	vld [tilespmem:s28+$0x10];
	v19 =	vperm.xlane v11, v0  }
0x1a2: {  	v20 =	vld [tilespmem:s30+$0xFFFFFFC0]  }
0x1a3: {  	v21 =	vmul.f32 v15, v13;
	v22 =	vmul.f32 v16, v14;
	v23 =	vld [tilespmem:s28+$0xFFFFFFE0];
	v11 =	vadd.f32 v11, v19  }
0x1a4: {  	v13 =	vmul.f32 v16, v13;
	v16 =	vmov s26;
	s26 =	smov.u32 s25;
	s25 =	smov.u32 s31;
	v19 =	vld [tilespmem:s30+$0x0]  }
0x1a5: {  	v14 =	vmul.f32 v15, v14;
	v21 =	vadd.f32 v22, v21;
	v15 =	vld [tilespmem:s28+$0x20];
	v22 =	vperm.xlane v11, v1  }
0x1a6: {  	vm0 =	veq.s32 v16, v4;
	v25 =	vmul.f32 v12, v10;
	v24 =	vld [tilespmem:s30+$0xFFFFFFD0];
	v26 =	vmul.f32 v18, v17  }
0x1a7: {  	v13 =	vsub.f32 v13, v14;
	v16 =	vmul.f32 v21, v20;
	v14 =	vld [tilespmem:s28+$0xFFFFFFF0];
	v11 =	vadd.f32 v11, v22  }
0x1a8: {  	v12 =	vmul.f32 v12, v17;
	v10 =	vmul.f32 v18, v10;
	v20 =	vld [tilespmem:s30+$0x10];
	v21 =	vadd.f32 v26, v25  }
0x1a9: {  	v16 =	vadd.f32 $0.0e+00, v16;
	v13 =	vmul.f32 v13, v19;
	v17 =	vld [tilespmem:s28+$0x30];
	v18 =	vperm.xlane v11, v2  }
0x1aa: {  	v10 =	vsub.f32 v10, v12;
	v19 =	vmul.f32 v23, v8;
	v12 =	vld [tilespmem:s30+$0xFFFFFFE0];
	v22 =	vmul.f32 v15, v9  }
0x1ab: {  	v13 =	vadd.f32 v16, v13;
	v16 =	vmul.f32 v21, v24;
	v21 =	vld [tilespmem:s30+$0x30];
	v11 =	vadd.f32 v11, v18  }
0x1ac: {  	v8 =	vmul.f32 v15, v8;
	v9 =	vmul.f32 v23, v9;
	v18 =	vld [tilespmem:s30+$0x20];
	v19 =	vadd.f32 v22, v19  }
0x1ad: {  	s29 =	sadd.s32 $0x80, s29;
	v13 =	vadd.f32 v16, v13;
	v10 =	vmul.f32 v10, v20;
	v15 =	vld [tilespmem:s30+$0xFFFFFFF0];
	v16 =	vperm.xlane v11, v3  }
0x1ae: {  	v22 =	vsub.f32 v8, v9;
	v9 =	vmul.f32 v14, v6;
	v20 =	vld [tilespmem:s29+$0xFFFFFFF0];
	v23 =	vmul.f32 v17, v7  }
0x1af: {  	v24 =	vld [tilespmem:s29+$0x30];
	v10 =	vadd.f32 v13, v10;
	v12 =	vmul.f32 v19, v12;
	v11 =	vadd.f32 v11, v16  }
0x1b0: {  	v17 =	vmul.f32 v17, v6;
	v7 =	vmul.f32 v14, v7;
	v8 =	vld [tilespmem:s29+$0xFFFFFFE0];
	v16 =	vadd.f32 v23, v9  }
0x1b1: {  	v9 =	vld [tilespmem:s29+$0x20];
	v12 =	vadd.f32 v12, v10;
	v14 =	vmul.f32 v22, v18;
	v5 =	vsel vm0, v11, v5  }
.Ltmp6:
0x1b2: {  	v10 =	vld [tilespmem:s29+$0xFFFFFFD0];
	(pc) =	sbr.rel @p0 .LBB2_15-.Ltmp6, $4  }
0x1b3: {  	v13 =	vld [tilespmem:s29+$0xFFFFFFC0];
	v11 =	vadd.f32 v12, v14;
	v12 =	vmul.f32 v16, v15;
	v16 =	vsub.f32 v17, v7;
	v6 =	vmovc v20  }
0x1b4: {  	s28 =	sadd.s32 $0x80, s28;
	v14 =	vld [tilespmem:s29+$0x0];
	v7 =	vmov v24  }
0x1b5: {  	v15 =	vld [tilespmem:s28+$0xFFFFFFC0];
	v11 =	vadd.f32 v12, v11;
	v12 =	vmul.f32 v16, v21  }
0x1b6: {  	s31 =	sadd.s32 $0x1, s31;
	v16 =	vld [tilespmem:s28+$0x0]  }
0x1b7: {  	v17 =	vld [tilespmem:s29+$0x10]  }
0x1b8: {  	v18 =	vld [tilespmem:s28+$0xFFFFFFD0]  }
0x1b9: {  	v19 =	vld [tilespmem:s28+$0x10];
	s30 =	sadd.s32 $0x80, s30  }
0x1ba: {  	v20 =	vld [tilespmem:s30+$0xFFFFFFC0]  }
0x1bb: {  	v23 =	vld [tilespmem:s28+$0xFFFFFFE0];
	v21 =	vmul.f32 v15, v13;
	v22 =	vmul.f32 v16, v14  }
0x1bc: {  	v24 =	vld [tilespmem:s30+$0x0]  }
0x1bd: {  	v38 =	vld [tilespmem:s28+$0x20];
	v37 =	vmul.f32 v15, v14;
	v35 =	vmul.f32 v16, v13;
	v36 =	vadd.f32 v22, v21  }
0x1be: {  	v39 =	vld [tilespmem:s30+$0xFFFFFFD0];
	v40 =	vmul.f32 v18, v10  }
0x1bf: {  	v41 =	vld [tilespmem:s28+$0xFFFFFFF0];
	v25 =	vmul.f32 v19, v17;
	v13 =	vsub.f32 v35, v37;
	v16 =	vmul.f32 v36, v20  }
0x1c0: {  	v42 =	vld [tilespmem:s30+$0x10];
	v43 =	vmul.f32 v19, v10;
	v17 =	vmul.f32 v18, v17  }
0x1c1: {  	v44 =	vld [tilespmem:s28+$0x30];
	v22 =	vadd.f32 v25, v40;
	v13 =	vmul.f32 v13, v24;
	v16 =	vadd.f32 $0.0e+00, v16  }
0x1c2: {  	v45 =	vld [tilespmem:s30+$0xFFFFFFE0];
	v46 =	vmul.f32 v23, v8;
	v47 =	vmul.f32 v38, v9  }
0x1c3: {  	v10 =	vsub.f32 v43, v17;
	v48 =	vmul.f32 v22, v39;
	v13 =	vadd.f32 v16, v13  }
0x1c4: {  	v49 =	vld [tilespmem:s30+$0x20];
	v51 =	vmul.f32 v38, v8;
	v52 =	vmul.f32 v23, v9  }
0x1c5: {  	v50 =	vadd.f32 v47, v46;
	v10 =	vmul.f32 v10, v42;
	v13 =	vadd.f32 v48, v13  }
0x1c6: {  	v53 =	vld [tilespmem:s30+$0xFFFFFFF0];
	v54 =	vmul.f32 v41, v6;
	v55 =	vmul.f32 v44, v7  }
0x1c7: {  	v8 =	vsub.f32 v51, v52;
	v57 =	vmul.f32 v50, v45;
	v56 =	vadd.f32 v13, v10  }
0x1c8: {  	v58 =	vld [tilespmem:s30+$0x30];
	v6 =	vmul.f32 v44, v6;
	v7 =	vmul.f32 v41, v7  }
0x1c9: {  	v8 =	vmul.f32 v8, v49;
	v16 =	vadd.f32 v55, v54;
	v9 =	vadd.f32 v57, v56;
	_ =	sdelay $0x1  }
0x1ca: {  	v6 =	vsub.f32 v6, v7;
	v59 =	vmul.f32 v16, v53;
	v8 =	vadd.f32 v9, v8;
	_ =	sdelay $0x1  }
0x1cb: {  	v6 =	vmul.f32 v6, v58;
	v7 =	vadd.f32 v59, v8  }
0x1cc: {  	v60 =	vadd.f32 v11, v12  }
0x1cd: {  	v6 =	vadd.f32 v7, v6  }
0x1ce: {  	v7 =	vperm.xlane v60, v0  }
0x1cf: {  	v61 =	vperm.xlane v6, v0  }
0x1d0: {  	v7 =	vadd.f32 v60, v7  }
0x1d1: {  	v6 =	vadd.f32 v6, v61  }
0x1d2: {  	v8 =	vperm.xlane v7, v1  }
0x1d3: {  	v9 =	vperm.xlane v6, v1  }
0x1d4: {  	v7 =	vadd.f32 v7, v8  }
0x1d5: {  	v6 =	vadd.f32 v6, v9  }
0x1d6: {  	v8 =	vperm.xlane v7, v2  }
0x1d7: {  	v9 =	vperm.xlane v6, v2  }
0x1d8: {  	v7 =	vadd.f32 v7, v8  }
0x1d9: {  	v6 =	vadd.f32 v6, v9  }
0x1da: {  	s31 =	sshll.u32 s3, $0x4;
	s3 =	sadd.s32 $0x1, s3;
	v8 =	vperm.xlane v7, v3  }
0x1db: {  	p0 =	sne.s32 s3, $0x8;
	v9 =	vperm.xlane v6, v3  }
.Ltmp7:
0x1dc: {  	v62 =	vmov s26;
	v7 =	vadd.f32 v7, v8;
	(pc) =	sbr.rel @p0 .LBB2_14-.Ltmp7, $4  }
0x1dd: {  	v63 =	vmov s25;
	vm0 =	veq.s32 v62, v4;
	v6 =	vadd.f32 v6, v9  }
0x1de: {  	vm15 =	veq.s32 v63, v4;
	v5 =	vsel vm0, v7, v5  }
0x1df: {  	s25 =	sand.u32 $0x3FFFFFF0, s31;
	v5 =	vsel vm15, v6, v5  }
0x1e0: {  	s19 =	sadd.s32 $0x800, s19;
	s21 =	sadd.s32 $0x800, s21;
	s24 =	sadd.s32 $0x800, s24;
	[tilespmem:s25+$0x18780] =	vst v5  }
0x1e1: {  	s0 =	sadd.s32 $0x1, s0  }
0x1e2: {  	p0 =	sne.s32 s0, s9  }
.Ltmp8:
0x1e3: {  	s3 =	simm.s32 $0x18600;
	(pc) =	sbr.rel @p0 .LBB2_1-.Ltmp8, $4  }
0x1e4: {  	[hbm4b:s8+s4] =	stream.linear.scatter [tilespmem:s3], [sflag:$0x3], $0x200, $0x38;
	[tilespmem:$0x18800] =	vst v63  }
0x1e5: {  	_ =	swait.ge [sflag:s11], $0x200  }
0x1e6: {  	[sflag:s11] =	ssyncset.done $0x0  }
0x1e7: {  	[sflag:s11] =	ssyncadd.s32 $0xFFFFFE00  }
0x1e8: {  	_ =	sfence.sel $0x180000  }
0x1e9: {  	[bflag:$0x0] =	sbarrier.arrive $0xFFFF  }
0x1ea: {  	_ =	strace $0x90000047  }
0x1eb: {  	s0 =	stileid.u32;
	[bflag:$0x2] =	sbarrier.arrive $0xFFFF  }
0x1ec: {  	p0 =	sne.s32 s0, $0x0;
	s0 =	rddreg [dreg:$0x6]  }
0x1ed: {  	s0 =	sadd.s32 @!p0 $0x100000, s0  }
0x1ee: {  	[sflag:s0] =	ssyncadd.tile.s32 @!p0 $0x1;
	_ =	shalt  }
.Lfunc_end2:
_tile_overlayer_lowered:
.L_overlay_start_2:
0x1ef: {  	(tag) =	ssettag $0x2  }
0x1f0: {  	s0 =	rddreg [dreg:$0x0];
	s2 =	stileid.u32  }
0x1f1: {  	s1 =	rddreg [dreg:$0x1];
	p0 =	sne.s32 s2, $0x0  }
0x1f2: {  	s3 =	rddreg [dreg:$0x2];
	[bflag:$0x3] =	sbarrier.arrive $0xFFFF;
	s2 =	simm.s32 @!p0 $0x1C03  }
0x1f3: {  	[timem:s3], [sflag:s2] =	dma.local @!p0 [hbm:s0], s1  }
0x1f4: {  	s0 =	simm.s32 @!p0 $0x3  }
0x1f5: {  	_ =	swait.ge @!p0 [sflag:s0], s1  }
0x1f6: {  	s1 =	ssub.s32 @!p0 $0x0, s1;
	[sflag:s0] =	ssyncset.done @!p0 $0x0  }
0x1f7: {  	[sflag:s0] =	ssyncadd.s32 @!p0 s1  }
0x1f8: {  	[bflag:$0x3] =	sbarrier.arrive $0xFFFF  }
0x1f9: {  	_ =	shalt  }

</sc_bundles>
